<compile_context>
chip_gen: v7x
topology: tpu7x:2x2x1
jax: 0.10.2.dev20260603
libtpu: 0.0.44.dev20260713+nightly
codegen_flags: <defaults>
</compile_context>

<pallas_src>
import functools

import jax
import jax.numpy as jnp
from jax import lax
from jax.experimental import pallas as pl
from jax.experimental.pallas import tpu as pltpu
from jax.experimental.pallas import tpu_sc as plsc

N = 10000
E = 320000
D_IN = 128
D = 16

NC = 2
NS = 16
NW = NC * NS
CH = 80
EPW = E // NW
NCH = EPW // CH
DSTOFF = E // CH
ACC_ROWS = 10112
RPS = ACC_ROWS // NS

_sc_mesh = plsc.VectorSubcoreMesh(core_axis_name="c", subcore_axis_name="s")
_sc_params = pltpu.CompilerParams(use_tc_tiling_on_sc=False)


@functools.partial(
    pl.kernel,
    out_type=jax.ShapeDtypeStruct((NC, ACC_ROWS, D), jnp.float32),
    mesh=_sc_mesh,
    scratch_types=[
        pltpu.VMEM((NCH, CH), jnp.int32),
        pltpu.VMEM((CH, D), jnp.float32),
        pltpu.VMEM((RPS, D), jnp.float32),
        pltpu.VMEM_SHARED((ACC_ROWS, D), jnp.float32),
        pltpu.SemaphoreType.DMA,
    ],
    compiler_params=_sc_params,
)
def _deg_sc(e2d_hbm, out_hbm, didx, ones, stage, acc, sem):
    c = lax.axis_index("c")
    s = lax.axis_index("s")
    wid = c * NS + s
    z16 = jnp.zeros((D,), jnp.float32)
    o16 = jnp.ones((D,), jnp.float32)

    def fill(i, _):
        stage[i, :] = z16
        return 0

    lax.fori_loop(0, RPS, fill, 0)

    def fill1(i, _):
        ones[i, :] = o16
        return 0

    lax.fori_loop(0, CH, fill1, 0)
    pltpu.sync_copy(stage, acc.at[pl.ds(s * RPS, RPS)])
    pltpu.sync_copy(e2d_hbm.at[pl.ds(DSTOFF + wid * NCH, NCH)], didx)
    plsc.subcore_barrier()

    def body(i, _):
        pltpu.async_copy(ones, acc.at[didx.at[i]], sem, add=True)
        return 0

    lax.fori_loop(0, NCH, body, 0)

    def drain(i, _):
        pltpu.make_async_copy(ones, acc.at[didx.at[0]], sem).wait()
        return 0

    lax.fori_loop(0, NCH, drain, 0)
    plsc.subcore_barrier()
    r0 = s * RPS
    pltpu.sync_copy(acc.at[pl.ds(r0, RPS)], out_hbm.at[c, pl.ds(r0, RPS)])


@functools.partial(
    pl.kernel,
    out_type=jax.ShapeDtypeStruct((NC, ACC_ROWS, D), jnp.float32),
    mesh=_sc_mesh,
    scratch_types=[
        pltpu.VMEM((NCH, CH), jnp.int32),
        pltpu.VMEM((NCH, CH), jnp.int32),
        pltpu.VMEM((CH, D), jnp.float32),
        pltpu.VMEM((CH, D), jnp.float32),
        pltpu.VMEM((RPS, D), jnp.float32),
        pltpu.VMEM_SHARED((ACC_ROWS, D), jnp.float32),
        pltpu.VMEM_SHARED((ACC_ROWS, D), jnp.float32),
        pltpu.SemaphoreType.DMA,
        pltpu.SemaphoreType.DMA,
        pltpu.SemaphoreType.DMA,
        pltpu.SemaphoreType.DMA,
    ],
    compiler_params=_sc_params,
)
def _agg_sc(s_hbm, e2d_hbm, out_hbm, sidx, didx, rows0, rows1,
            stage, tbl, acc, gs0, gs1, ss0, ss1):
    c = lax.axis_index("c")
    s = lax.axis_index("s")
    wid = c * NS + s
    z16 = jnp.zeros((D,), jnp.float32)
    r0 = s * RPS

    pltpu.sync_copy(s_hbm.at[pl.ds(r0, RPS)], tbl.at[pl.ds(r0, RPS)])

    def fill(i, _):
        stage[i, :] = z16
        return 0

    lax.fori_loop(0, RPS, fill, 0)
    pltpu.sync_copy(stage, acc.at[pl.ds(r0, RPS)])

    pltpu.sync_copy(e2d_hbm.at[pl.ds(wid * NCH, NCH)], sidx)
    pltpu.sync_copy(e2d_hbm.at[pl.ds(DSTOFF + wid * NCH, NCH)], didx)
    plsc.subcore_barrier()

    def wg0():
        pltpu.make_async_copy(tbl.at[sidx.at[0]], rows0, gs0).wait()

    def wg1():
        pltpu.make_async_copy(tbl.at[sidx.at[0]], rows1, gs1).wait()

    def ws0():
        pltpu.make_async_copy(rows0, acc.at[didx.at[0]], ss0).wait()

    def ws1():
        pltpu.make_async_copy(rows1, acc.at[didx.at[0]], ss1).wait()

    pltpu.async_copy(tbl.at[sidx.at[0]], rows0, gs0)
    wg0()
    pltpu.async_copy(rows0, acc.at[didx.at[0]], ss0, add=True)
    pltpu.async_copy(tbl.at[sidx.at[1]], rows1, gs1)

    def body(j, _):
        i0 = 1 + 2 * j
        ws0()
        pltpu.async_copy(tbl.at[sidx.at[i0 + 1]], rows0, gs0)
        wg1()
        pltpu.async_copy(rows1, acc.at[didx.at[i0]], ss1, add=True)
        i1 = i0 + 1
        ws1()
        pltpu.async_copy(tbl.at[sidx.at[i1 + 1]], rows1, gs1)
        wg0()
        pltpu.async_copy(rows0, acc.at[didx.at[i1]], ss0, add=True)
        return 0

    lax.fori_loop(0, (NCH - 3) // 2, body, 0)
    ws0()
    pltpu.async_copy(tbl.at[sidx.at[NCH - 1]], rows0, gs0)
    wg1()
    pltpu.async_copy(rows1, acc.at[didx.at[NCH - 2]], ss1, add=True)
    wg0()
    pltpu.async_copy(rows0, acc.at[didx.at[NCH - 1]], ss0, add=True)
    ws1()
    ws0()

    plsc.subcore_barrier()
    pltpu.sync_copy(acc.at[pl.ds(r0, RPS)], out_hbm.at[c, pl.ds(r0, RPS)])


WR = ACC_ROWS * D // 128
WN = N * D // 128
XR = N * D_IN // 1024


def _prep_body(xw_ref, w1b_ref, degp_ref, s1_ref, dinv_ref):
    dinv = lax.rsqrt(degp_ref[0] + degp_ref[1] + 1.0)
    xw = jnp.dot(xw_ref[...], w1b_ref[...], preferred_element_type=jnp.float32)
    s1_ref[:WN, :] = xw * dinv[:WN, :]
    s1_ref[WN:, :] = jnp.zeros((WR - WN, 128), jnp.float32)
    dinv_ref[...] = dinv


def _mid_body(p_ref, s1_ref, dinv_ref, b1_ref, w2b_ref, s2_ref):
    dinv = dinv_ref[...]
    h = jnp.maximum((p_ref[0] + p_ref[1] + s1_ref[...]) * dinv + b1_ref[...], 0.0)
    s2_ref[...] = jnp.dot(h, w2b_ref[...], preferred_element_type=jnp.float32) * dinv


def _fin_body(p_ref, s2_ref, dinv_ref, b2_ref, o_ref):
    agg = p_ref[0, :WN, :] + p_ref[1, :WN, :] + s2_ref[:WN, :]
    o_ref[...] = agg * dinv_ref[:WN, :] + b2_ref[...]


_prep_tc = pl.pallas_call(
    _prep_body,
    out_shape=[
        jax.ShapeDtypeStruct((WR, 128), jnp.float32),
        jax.ShapeDtypeStruct((WR, 128), jnp.float32),
    ],
)

_mid_tc = pl.pallas_call(
    _mid_body,
    out_shape=jax.ShapeDtypeStruct((WR, 128), jnp.float32),
)

_fin_tc = pl.pallas_call(
    _fin_body,
    out_shape=jax.ShapeDtypeStruct((WN, 128), jnp.float32),
)


def kernel(x, edge_index, W1, b1, W2, b2):
    e2d = edge_index.astype(jnp.int32).reshape(2 * DSTOFF, CH)
    eye8 = jnp.eye(8, dtype=jnp.float32)
    w1b = jnp.kron(eye8, W1)
    w2b = jnp.kron(eye8, W2)
    b1w = jnp.tile(b1, 8).reshape(1, 128)
    b2w = jnp.tile(b2, 8).reshape(1, 128)

    degp = _deg_sc(e2d)
    s1w, dinvw = _prep_tc(x.reshape(XR, 1024), w1b,
                          degp.reshape(NC, WR, 128))
    p1 = _agg_sc(s1w.reshape(ACC_ROWS, D), e2d)
    s2w = _mid_tc(p1.reshape(NC, WR, 128), s1w, dinvw, b1w, w2b)
    p2 = _agg_sc(s2w.reshape(ACC_ROWS, D), e2d)
    ow = _fin_tc(p2.reshape(NC, WR, 128), s2w, dinvw, b2w)
    return ow.reshape(N, D)

# --- scband reference (transcript-rebuilt; emitter-appended) ---
"""Pipeline reference for scband-net-18090402251166 (READ-ONLY COPY).

The authoritative reference and input builder live on the scoring server;
editing this copy changes nothing except your own understanding.
"""

import jax, jax.numpy as jnp
import numpy as np

N_NODES = 10000
N_EDGES = 320000
D_IN = 128
D_HID = 16
D_OUT = 16


def setup_inputs(seed: int = 0) -> dict:
    key = jax.random.key(seed)
    k1, k2, k3, k4, k5, k6 = jax.random.split(key, 6)
    x = jax.random.normal(k1, (N_NODES, D_IN), dtype=jnp.float32)
    edge_index = jax.random.randint(k2, (2, N_EDGES), 0, N_NODES, dtype=jnp.int64)
    # Glorot-style init for GCN weights
    W1 = jax.random.normal(k3, (D_IN, D_HID), dtype=jnp.float32) * (1.0 / np.sqrt(D_IN))
    b1 = jnp.zeros((D_HID,), dtype=jnp.float32)
    W2 = jax.random.normal(k4, (D_HID, D_OUT), dtype=jnp.float32) * (1.0 / np.sqrt(D_HID))
    b2 = jnp.zeros((D_OUT,), dtype=jnp.float32)
    return {"x": x, "edge_index": edge_index, "W1": W1, "b1": b1, "W2": W2, "b2": b2}


def _gcn_conv(x, edge_index, W, b):
    """Faithful GCNConv: add self-loops, symmetric normalization, X W, scatter-add."""
    num_nodes = x.shape[0]
    src = edge_index[0]
    dst = edge_index[1]
    loop = jnp.arange(num_nodes, dtype=src.dtype)
    src = jnp.concatenate([src, loop])
    dst = jnp.concatenate([dst, loop])
    # degree computed on destination nodes (edge weight = 1)
    deg = jnp.zeros((num_nodes,), dtype=x.dtype).at[dst].add(1.0)
    deg_inv_sqrt = jnp.where(deg > 0, jax.lax.rsqrt(jnp.maximum(deg, 1e-12)), 0.0)
    norm = deg_inv_sqrt[src] * deg_inv_sqrt[dst]
    xw = x @ W
    msg = xw[src] * norm[:, None]
    out = jax.ops.segment_sum(msg, dst, num_segments=num_nodes)
    return out + b


def reference(x, edge_index, W1, b1, W2, b2):
    h = _gcn_conv(x, edge_index, W1, b1)
    h = jax.nn.relu(h)
    # F.dropout(x, training=self.training): identity at inference
    out = _gcn_conv(h, edge_index, W2, b2)
    return out

if __name__ == "__main__":
    import jax
    _d = setup_inputs()
    print(jax.jit(kernel)(*tuple(_d.values())))

</pallas_src>

<mosaic_0001>
#map = affine_map<(d0, d1) -> (0, 0)>
#map1 = affine_map<(d0, d1) -> (0, 0, 0)>
module attributes {stable_mosaic.version = 14 : i64} {
  func.func @_deg_sc(%arg0: i32, %arg1: i32, %arg2: memref<8000x80xi32, #tpu.memory_space<hbm>>, %arg3: memref<2x10112x16xf32, #tpu.memory_space<hbm>>, %arg4: memref<125x80xi32, #tpu.memory_space<vmem>>, %arg5: memref<80x16xf32, #tpu.memory_space<vmem>>, %arg6: memref<632x16xf32, #tpu.memory_space<vmem>>, %arg7: memref<10112x16xf32, #tpu.memory_space<vmem_shared>>, %arg8: memref<!tpu.dma_semaphore, #tpu.memory_space<semaphore_mem>>) attributes {dimension_semantics = [#tpu.dimension_semantics<core_parallel>, #tpu.dimension_semantics<subcore_parallel>], iteration_bounds = array<i64: 2, 16>, scalar_prefetch = 0 : i64, scratch_operands = 5 : i64, tpu.core_type = #tpu.core_type<sc_vector_subcore>, window_params = [{transform_indices = #map}, {transform_indices = #map1}]} {
    %mul3A = arith.constant 16 : i32
    %mul3A_0 = arith.muli %arg0, %mul3A : i32
    %add3A = arith.addi %mul3A_0, %arg1 : i32
    %broadcast_in_dim3A = arith.constant 0.000000e+00 : f32
    %broadcast_in_dim3A_1 = vector.broadcast %broadcast_in_dim3A : f32 to vector<16xf32>
    %broadcast_in_dim3A_2 = arith.constant 1.000000e+00 : f32
    %broadcast_in_dim3A_3 = vector.broadcast %broadcast_in_dim3A_2 : f32 to vector<16xf32>
    %scan3A = arith.constant 0 : i32
    %scan3A_4 = arith.constant 0 : i32
    %scan3A_5 = arith.constant 632 : i32
    %scan3A_6 = arith.addi %scan3A_4, %scan3A_5 : i32
    %scan3A_7 = arith.constant 1 : i32
    %scan3A_8 = scf.for %scan3A_40 = %scan3A_4 to %scan3A_6 step %scan3A_7 iter_args(%scan3A_41 = %scan3A) -> (i32)  : i32 {
      %swap3A = arith.index_cast %scan3A_40 : i32 to index
      %swap3A_42 = arith.constant 0 : index
      %swap3A_43 = tpu.vector_load %arg6[%swap3A, %swap3A_42] {strides = array<i32>} : memref<632x16xf32, #tpu.memory_space<vmem>>, vector<1x16xf32>,
      %swap3A_44 = vector.shape_cast %swap3A_43 : vector<1x16xf32> to vector<16xf32>
      %swap3A_45 = vector.shape_cast %broadcast_in_dim3A_1 : vector<16xf32> to vector<1x16xf32>
      tpu.vector_store %arg6[%swap3A, %swap3A_42], %swap3A_45 {strides = array<i32>} : memref<632x16xf32, #tpu.memory_space<vmem>>, vector<1x16xf32>,
      %scan3A_46 = arith.constant 0 : i32
      scf.yield %scan3A_46 : i32
    }
    %scan3A_9 = arith.constant 632 : i32
    %scan3A_10 = arith.constant 0 : i32
    %scan3A_11 = arith.constant 0 : i32
    %scan3A_12 = arith.constant 80 : i32
    %scan3A_13 = arith.addi %scan3A_11, %scan3A_12 : i32
    %scan3A_14 = arith.constant 1 : i32
    %scan3A_15 = scf.for %scan3A_40 = %scan3A_11 to %scan3A_13 step %scan3A_14 iter_args(%scan3A_41 = %scan3A_10) -> (i32)  : i32 {
      %swap3A = arith.index_cast %scan3A_40 : i32 to index
      %swap3A_42 = arith.constant 0 : index
      %swap3A_43 = tpu.vector_load %arg5[%swap3A, %swap3A_42] {strides = array<i32>} : memref<80x16xf32, #tpu.memory_space<vmem>>, vector<1x16xf32>,
      %swap3A_44 = vector.shape_cast %swap3A_43 : vector<1x16xf32> to vector<16xf32>
      %swap3A_45 = vector.shape_cast %broadcast_in_dim3A_3 : vector<16xf32> to vector<1x16xf32>
      tpu.vector_store %arg5[%swap3A, %swap3A_42], %swap3A_45 {strides = array<i32>} : memref<80x16xf32, #tpu.memory_space<vmem>>, vector<1x16xf32>,
      %scan3A_46 = arith.constant 0 : i32
      scf.yield %scan3A_46 : i32
    }
    %scan3A_16 = arith.constant 80 : i32
    %mul3A_17 = arith.constant 632 : i32
    %mul3A_18 = arith.muli %arg1, %mul3A_17 : i32
    "tpu.region"() ({
      %run_scoped3A = tpu.sem_alloc : memref<!tpu.dma_semaphore, #tpu.memory_space<semaphore_mem>>
      %dma_start3A = arith.constant 0 : i32
      %dma_start3A_40 = tpu.memref_slice %arg7[%mul3A_18, %dma_start3A] : memref<10112x16xf32, #tpu.memory_space<vmem_shared>> -> memref<632x16xf32, #tpu.memory_space<vmem_shared>>
      %dma_start3A_41 = arith.constant 0 : i32
      %dma_start3A_42 = tpu.memref_slice %arg7[%mul3A_18, %dma_start3A_41] : memref<10112x16xf32, #tpu.memory_space<vmem_shared>> -> memref<632x16xf32, #tpu.memory_space<vmem_shared>>
      tpu.enqueue_dma source(%arg6 : memref<632x16xf32, #tpu.memory_space<vmem>>) target(%dma_start3A_42 : memref<632x16xf32, #tpu.memory_space<vmem_shared>>) target_semaphore(%run_scoped3A : memref<!tpu.dma_semaphore, #tpu.memory_space<semaphore_mem>>)
      %dma_wait3A = arith.constant 0 : i32
      %dma_wait3A_43 = tpu.memref_slice %arg7[%mul3A_18, %dma_wait3A] : memref<10112x16xf32, #tpu.memory_space<vmem_shared>> -> memref<632x16xf32, #tpu.memory_space<vmem_shared>>
      %dma_wait3A_44 = arith.constant 0 : i32
      %dma_wait3A_45 = tpu.memref_slice %arg7[%mul3A_18, %dma_wait3A_44] : memref<10112x16xf32, #tpu.memory_space<vmem_shared>> -> memref<632x16xf32, #tpu.memory_space<vmem_shared>>
      tpu.wait_dma2 semaphore(%run_scoped3A : memref<!tpu.dma_semaphore, #tpu.memory_space<semaphore_mem>>) src(%arg6 : memref<632x16xf32, #tpu.memory_space<vmem>>) dst(%dma_wait3A_45 : memref<632x16xf32, #tpu.memory_space<vmem_shared>>)
      tpu.yield
    }) : () -> ()
    %mul3A_19 = arith.constant 125 : i32
    %mul3A_20 = arith.muli %add3A, %mul3A_19 : i32
    %add3A_21 = arith.constant 4000 : i32
    %add3A_22 = arith.addi %add3A_21, %mul3A_20 : i32
    "tpu.region"() ({
      %run_scoped3A = tpu.sem_alloc : memref<!tpu.dma_semaphore, #tpu.memory_space<semaphore_mem>>
      %dma_start3A = arith.constant 0 : i32
      %dma_start3A_40 = tpu.memref_slice %arg2[%add3A_22, %dma_start3A] : memref<8000x80xi32, #tpu.memory_space<hbm>> -> memref<125x80xi32, #tpu.memory_space<hbm>>
      %dma_start3A_41 = arith.constant 0 : i32
      %dma_start3A_42 = tpu.memref_slice %arg2[%add3A_22, %dma_start3A_41] : memref<8000x80xi32, #tpu.memory_space<hbm>> -> memref<125x80xi32, #tpu.memory_space<hbm>>
      tpu.enqueue_dma source(%dma_start3A_42 : memref<125x80xi32, #tpu.memory_space<hbm>>) target(%arg4 : memref<125x80xi32, #tpu.memory_space<vmem>>) target_semaphore(%run_scoped3A : memref<!tpu.dma_semaphore, #tpu.memory_space<semaphore_mem>>)
      %dma_wait3A = arith.constant 0 : i32
      %dma_wait3A_43 = tpu.memref_slice %arg2[%add3A_22, %dma_wait3A] : memref<8000x80xi32, #tpu.memory_space<hbm>> -> memref<125x80xi32, #tpu.memory_space<hbm>>
      %dma_wait3A_44 = arith.constant 0 : i32
      %dma_wait3A_45 = tpu.memref_slice %arg2[%add3A_22, %dma_wait3A_44] : memref<8000x80xi32, #tpu.memory_space<hbm>> -> memref<125x80xi32, #tpu.memory_space<hbm>>
      tpu.wait_dma2 semaphore(%run_scoped3A : memref<!tpu.dma_semaphore, #tpu.memory_space<semaphore_mem>>) src(%dma_wait3A_45 : memref<125x80xi32, #tpu.memory_space<hbm>>) dst(%arg4 : memref<125x80xi32, #tpu.memory_space<vmem>>)
      tpu.yield
    }) : () -> ()
    %barrier3A = arith.constant 0 : index
    tpu.barrier barrier_id(%barrier3A)
    %scan3A_23 = arith.constant 0 : i32
    %scan3A_24 = arith.constant 0 : i32
    %scan3A_25 = arith.constant 125 : i32
    %scan3A_26 = arith.addi %scan3A_24, %scan3A_25 : i32
    %scan3A_27 = arith.constant 1 : i32
    %scan3A_28 = scf.for %scan3A_40 = %scan3A_24 to %scan3A_26 step %scan3A_27 iter_args(%scan3A_41 = %scan3A_23) -> (i32)  : i32 {
      %dma_start3A = arith.constant 0 : i32
      %dma_start3A_42 = tpu.memref_slice %arg4[%scan3A_40, %dma_start3A] : memref<125x80xi32, #tpu.memory_space<vmem>> -> memref<1x80xi32, #tpu.memory_space<vmem>>
      %dma_start3A_43 = tpu.memref_squeeze %dma_start3A_42 : memref<1x80xi32, #tpu.memory_space<vmem>> -> memref<80xi32, #tpu.memory_space<vmem>>
      %dma_start3A_44 = arith.constant 0 : i32
      %dma_start3A_45 = arith.constant 0 : i32
      %dma_start3A_46 = tpu.memref_slice %arg7[%dma_start3A_44, %dma_start3A_45] : memref<10112x16xf32, #tpu.memory_space<vmem_shared>> -> memref<10112x16xf32, #tpu.memory_space<vmem_shared>>
      tpu.enqueue_indirect_dma source(%arg5 : memref<80x16xf32, #tpu.memory_space<vmem>>) target(%dma_start3A_46 : memref<10112x16xf32, #tpu.memory_space<vmem_shared>>) offsets(%dma_start3A_43 : memref<80xi32, #tpu.memory_space<vmem>>) semaphore(%arg8 : memref<!tpu.dma_semaphore, #tpu.memory_space<semaphore_mem>>) {add = true}
      %scan3A_47 = arith.constant 0 : i32
      scf.yield %scan3A_47 : i32
    }
    %scan3A_29 = arith.constant 125 : i32
    %scan3A_30 = arith.constant 0 : i32
    %scan3A_31 = arith.constant 0 : i32
    %scan3A_32 = arith.constant 125 : i32
    %scan3A_33 = arith.addi %scan3A_31, %scan3A_32 : i32
    %scan3A_34 = arith.constant 1 : i32
    %scan3A_35 = scf.for %scan3A_40 = %scan3A_31 to %scan3A_33 step %scan3A_34 iter_args(%scan3A_41 = %scan3A_30) -> (i32)  : i32 {
      %dma_wait3A = arith.constant 0 : i32
      %dma_wait3A_42 = arith.constant 0 : i32
      %dma_wait3A_43 = tpu.memref_slice %arg4[%dma_wait3A, %dma_wait3A_42] : memref<125x80xi32, #tpu.memory_space<vmem>> -> memref<1x80xi32, #tpu.memory_space<vmem>>
      %dma_wait3A_44 = tpu.memref_squeeze %dma_wait3A_43 : memref<1x80xi32, #tpu.memory_space<vmem>> -> memref<80xi32, #tpu.memory_space<vmem>>
      %dma_wait3A_45 = arith.constant 0 : i32
      %dma_wait3A_46 = arith.constant 0 : i32
      %dma_wait3A_47 = tpu.memref_slice %arg7[%dma_wait3A_45, %dma_wait3A_46] : memref<10112x16xf32, #tpu.memory_space<vmem_shared>> -> memref<10112x16xf32, #tpu.memory_space<vmem_shared>>
      tpu.wait_indirect_dma semaphore(%arg8 : memref<!tpu.dma_semaphore, #tpu.memory_space<semaphore_mem>>) src(%arg5 : memref<80x16xf32, #tpu.memory_space<vmem>>) dst(%dma_wait3A_47 : memref<10112x16xf32, #tpu.memory_space<vmem_shared>>)
      %scan3A_48 = arith.constant 0 : i32
      scf.yield %scan3A_48 : i32
    }
    %scan3A_36 = arith.constant 125 : i32
    %barrier3A_37 = arith.constant 0 : index
    tpu.barrier barrier_id(%barrier3A_37)
    %mul3A_38 = arith.constant 632 : i32
    %mul3A_39 = arith.muli %arg1, %mul3A_38 : i32
    "tpu.region"() ({
      %run_scoped3A = tpu.sem_alloc : memref<!tpu.dma_semaphore, #tpu.memory_space<semaphore_mem>>
      %dma_start3A = arith.constant 0 : i32
      %dma_start3A_40 = tpu.memref_slice %arg3[%arg0, %mul3A_39, %dma_start3A] : memref<2x10112x16xf32, #tpu.memory_space<hbm>> -> memref<1x632x16xf32, #tpu.memory_space<hbm>>
      %dma_start3A_41 = tpu.memref_squeeze %dma_start3A_40 : memref<1x632x16xf32, #tpu.memory_space<hbm>> -> memref<632x16xf32, #tpu.memory_space<hbm>>
      %dma_start3A_42 = arith.constant 0 : i32
      %dma_start3A_43 = tpu.memref_slice %arg7[%mul3A_39, %dma_start3A_42] : memref<10112x16xf32, #tpu.memory_space<vmem_shared>> -> memref<632x16xf32, #tpu.memory_space<vmem_shared>>
      tpu.enqueue_dma source(%dma_start3A_43 : memref<632x16xf32, #tpu.memory_space<vmem_shared>>) target(%dma_start3A_41 : memref<632x16xf32, #tpu.memory_space<hbm>>) target_semaphore(%run_scoped3A : memref<!tpu.dma_semaphore, #tpu.memory_space<semaphore_mem>>)
      %dma_wait3A = arith.constant 0 : i32
      %dma_wait3A_44 = tpu.memref_slice %arg3[%arg0, %mul3A_39, %dma_wait3A] : memref<2x10112x16xf32, #tpu.memory_space<hbm>> -> memref<1x632x16xf32, #tpu.memory_space<hbm>>
      %dma_wait3A_45 = tpu.memref_squeeze %dma_wait3A_44 : memref<1x632x16xf32, #tpu.memory_space<hbm>> -> memref<632x16xf32, #tpu.memory_space<hbm>>
      %dma_wait3A_46 = arith.constant 0 : i32
      %dma_wait3A_47 = tpu.memref_slice %arg7[%mul3A_39, %dma_wait3A_46] : memref<10112x16xf32, #tpu.memory_space<vmem_shared>> -> memref<632x16xf32, #tpu.memory_space<vmem_shared>>
      tpu.wait_dma2 semaphore(%run_scoped3A : memref<!tpu.dma_semaphore, #tpu.memory_space<semaphore_mem>>) src(%dma_wait3A_47 : memref<632x16xf32, #tpu.memory_space<vmem_shared>>) dst(%dma_wait3A_45 : memref<632x16xf32, #tpu.memory_space<hbm>>)
      tpu.yield
    }) : () -> ()
    return
  }
}

#map = affine_map<(d0, d1) -> (0, 0)>
#map1 = affine_map<(d0, d1) -> (0, 0, 0)>
module attributes {stable_mosaic.version = 14 : i64} {
  func.func @_agg_sc(%arg0: i32, %arg1: i32, %arg2: memref<10112x16xf32, #tpu.memory_space<hbm>>, %arg3: memref<8000x80xi32, #tpu.memory_space<hbm>>, %arg4: memref<2x10112x16xf32, #tpu.memory_space<hbm>>, %arg5: memref<125x80xi32, #tpu.memory_space<vmem>>, %arg6: memref<125x80xi32, #tpu.memory_space<vmem>>, %arg7: memref<80x16xf32, #tpu.memory_space<vmem>>, %arg8: memref<80x16xf32, #tpu.memory_space<vmem>>, %arg9: memref<632x16xf32, #tpu.memory_space<vmem>>, %arg10: memref<10112x16xf32, #tpu.memory_space<vmem_shared>>, %arg11: memref<10112x16xf32, #tpu.memory_space<vmem_shared>>, %arg12: memref<!tpu.dma_semaphore, #tpu.memory_space<semaphore_mem>>, %arg13: memref<!tpu.dma_semaphore, #tpu.memory_space<semaphore_mem>>, %arg14: memref<!tpu.dma_semaphore, #tpu.memory_space<semaphore_mem>>, %arg15: memref<!tpu.dma_semaphore, #tpu.memory_space<semaphore_mem>>) attributes {dimension_semantics = [#tpu.dimension_semantics<core_parallel>, #tpu.dimension_semantics<subcore_parallel>], iteration_bounds = array<i64: 2, 16>, scalar_prefetch = 0 : i64, scratch_operands = 11 : i64, tpu.core_type = #tpu.core_type<sc_vector_subcore>, window_params = [{transform_indices = #map}, {transform_indices = #map}, {transform_indices = #map1}]} {
    %mul3A = arith.constant 16 : i32
    %mul3A_0 = arith.muli %arg0, %mul3A : i32
    %add3A = arith.addi %mul3A_0, %arg1 : i32
    %broadcast_in_dim3A = arith.constant 0.000000e+00 : f32
    %broadcast_in_dim3A_1 = vector.broadcast %broadcast_in_dim3A : f32 to vector<16xf32>
    %mul3A_2 = arith.constant 632 : i32
    %mul3A_3 = arith.muli %arg1, %mul3A_2 : i32
    "tpu.region"() ({
      %run_scoped3A = tpu.sem_alloc : memref<!tpu.dma_semaphore, #tpu.memory_space<semaphore_mem>>
      %dma_start3A_106 = arith.constant 0 : i32
      %dma_start3A_107 = tpu.memref_slice %arg10[%mul3A_3, %dma_start3A_106] : memref<10112x16xf32, #tpu.memory_space<vmem_shared>> -> memref<632x16xf32, #tpu.memory_space<vmem_shared>>
      %dma_start3A_108 = arith.constant 0 : i32
      %dma_start3A_109 = tpu.memref_slice %arg2[%mul3A_3, %dma_start3A_108] : memref<10112x16xf32, #tpu.memory_space<hbm>> -> memref<632x16xf32, #tpu.memory_space<hbm>>
      tpu.enqueue_dma source(%dma_start3A_109 : memref<632x16xf32, #tpu.memory_space<hbm>>) target(%dma_start3A_107 : memref<632x16xf32, #tpu.memory_space<vmem_shared>>) target_semaphore(%run_scoped3A : memref<!tpu.dma_semaphore, #tpu.memory_space<semaphore_mem>>)
      %dma_wait3A_110 = arith.constant 0 : i32
      %dma_wait3A_111 = tpu.memref_slice %arg10[%mul3A_3, %dma_wait3A_110] : memref<10112x16xf32, #tpu.memory_space<vmem_shared>> -> memref<632x16xf32, #tpu.memory_space<vmem_shared>>
      %dma_wait3A_112 = arith.constant 0 : i32
      %dma_wait3A_113 = tpu.memref_slice %arg2[%mul3A_3, %dma_wait3A_112] : memref<10112x16xf32, #tpu.memory_space<hbm>> -> memref<632x16xf32, #tpu.memory_space<hbm>>
      tpu.wait_dma2 semaphore(%run_scoped3A : memref<!tpu.dma_semaphore, #tpu.memory_space<semaphore_mem>>) src(%dma_wait3A_113 : memref<632x16xf32, #tpu.memory_space<hbm>>) dst(%dma_wait3A_111 : memref<632x16xf32, #tpu.memory_space<vmem_shared>>)
      tpu.yield
    }) : () -> ()
    %scan3A = arith.constant 0 : i32
    %scan3A_4 = arith.constant 0 : i32
    %scan3A_5 = arith.constant 632 : i32
    %scan3A_6 = arith.addi %scan3A_4, %scan3A_5 : i32
    %scan3A_7 = arith.constant 1 : i32
    %scan3A_8 = scf.for %scan3A_106 = %scan3A_4 to %scan3A_6 step %scan3A_7 iter_args(%scan3A_107 = %scan3A) -> (i32)  : i32 {
      %swap3A = arith.index_cast %scan3A_106 : i32 to index
      %swap3A_108 = arith.constant 0 : index
      %swap3A_109 = tpu.vector_load %arg9[%swap3A, %swap3A_108] {strides = array<i32>} : memref<632x16xf32, #tpu.memory_space<vmem>>, vector<1x16xf32>,
      %swap3A_110 = vector.shape_cast %swap3A_109 : vector<1x16xf32> to vector<16xf32>
      %swap3A_111 = vector.shape_cast %broadcast_in_dim3A_1 : vector<16xf32> to vector<1x16xf32>
      tpu.vector_store %arg9[%swap3A, %swap3A_108], %swap3A_111 {strides = array<i32>} : memref<632x16xf32, #tpu.memory_space<vmem>>, vector<1x16xf32>,
      %scan3A_112 = arith.constant 0 : i32
      scf.yield %scan3A_112 : i32
    }
    %scan3A_9 = arith.constant 632 : i32
    "tpu.region"() ({
      %run_scoped3A = tpu.sem_alloc : memref<!tpu.dma_semaphore, #tpu.memory_space<semaphore_mem>>
      %dma_start3A_106 = arith.constant 0 : i32
      %dma_start3A_107 = tpu.memref_slice %arg11[%mul3A_3, %dma_start3A_106] : memref<10112x16xf32, #tpu.memory_space<vmem_shared>> -> memref<632x16xf32, #tpu.memory_space<vmem_shared>>
      %dma_start3A_108 = arith.constant 0 : i32
      %dma_start3A_109 = tpu.memref_slice %arg11[%mul3A_3, %dma_start3A_108] : memref<10112x16xf32, #tpu.memory_space<vmem_shared>> -> memref<632x16xf32, #tpu.memory_space<vmem_shared>>
      tpu.enqueue_dma source(%arg9 : memref<632x16xf32, #tpu.memory_space<vmem>>) target(%dma_start3A_109 : memref<632x16xf32, #tpu.memory_space<vmem_shared>>) target_semaphore(%run_scoped3A : memref<!tpu.dma_semaphore, #tpu.memory_space<semaphore_mem>>)
      %dma_wait3A_110 = arith.constant 0 : i32
      %dma_wait3A_111 = tpu.memref_slice %arg11[%mul3A_3, %dma_wait3A_110] : memref<10112x16xf32, #tpu.memory_space<vmem_shared>> -> memref<632x16xf32, #tpu.memory_space<vmem_shared>>
      %dma_wait3A_112 = arith.constant 0 : i32
      %dma_wait3A_113 = tpu.memref_slice %arg11[%mul3A_3, %dma_wait3A_112] : memref<10112x16xf32, #tpu.memory_space<vmem_shared>> -> memref<632x16xf32, #tpu.memory_space<vmem_shared>>
      tpu.wait_dma2 semaphore(%run_scoped3A : memref<!tpu.dma_semaphore, #tpu.memory_space<semaphore_mem>>) src(%arg9 : memref<632x16xf32, #tpu.memory_space<vmem>>) dst(%dma_wait3A_113 : memref<632x16xf32, #tpu.memory_space<vmem_shared>>)
      tpu.yield
    }) : () -> ()
    %mul3A_10 = arith.constant 125 : i32
    %mul3A_11 = arith.muli %add3A, %mul3A_10 : i32
    "tpu.region"() ({
      %run_scoped3A = tpu.sem_alloc : memref<!tpu.dma_semaphore, #tpu.memory_space<semaphore_mem>>
      %dma_start3A_106 = arith.constant 0 : i32
      %dma_start3A_107 = tpu.memref_slice %arg3[%mul3A_11, %dma_start3A_106] : memref<8000x80xi32, #tpu.memory_space<hbm>> -> memref<125x80xi32, #tpu.memory_space<hbm>>
      %dma_start3A_108 = arith.constant 0 : i32
      %dma_start3A_109 = tpu.memref_slice %arg3[%mul3A_11, %dma_start3A_108] : memref<8000x80xi32, #tpu.memory_space<hbm>> -> memref<125x80xi32, #tpu.memory_space<hbm>>
      tpu.enqueue_dma source(%dma_start3A_109 : memref<125x80xi32, #tpu.memory_space<hbm>>) target(%arg5 : memref<125x80xi32, #tpu.memory_space<vmem>>) target_semaphore(%run_scoped3A : memref<!tpu.dma_semaphore, #tpu.memory_space<semaphore_mem>>)
      %dma_wait3A_110 = arith.constant 0 : i32
      %dma_wait3A_111 = tpu.memref_slice %arg3[%mul3A_11, %dma_wait3A_110] : memref<8000x80xi32, #tpu.memory_space<hbm>> -> memref<125x80xi32, #tpu.memory_space<hbm>>
      %dma_wait3A_112 = arith.constant 0 : i32
      %dma_wait3A_113 = tpu.memref_slice %arg3[%mul3A_11, %dma_wait3A_112] : memref<8000x80xi32, #tpu.memory_space<hbm>> -> memref<125x80xi32, #tpu.memory_space<hbm>>
      tpu.wait_dma2 semaphore(%run_scoped3A : memref<!tpu.dma_semaphore, #tpu.memory_space<semaphore_mem>>) src(%dma_wait3A_113 : memref<125x80xi32, #tpu.memory_space<hbm>>) dst(%arg5 : memref<125x80xi32, #tpu.memory_space<vmem>>)
      tpu.yield
    }) : () -> ()
    %mul3A_12 = arith.constant 125 : i32
    %mul3A_13 = arith.muli %add3A, %mul3A_12 : i32
    %add3A_14 = arith.constant 4000 : i32
    %add3A_15 = arith.addi %add3A_14, %mul3A_13 : i32
    "tpu.region"() ({
      %run_scoped3A = tpu.sem_alloc : memref<!tpu.dma_semaphore, #tpu.memory_space<semaphore_mem>>
      %dma_start3A_106 = arith.constant 0 : i32
      %dma_start3A_107 = tpu.memref_slice %arg3[%add3A_15, %dma_start3A_106] : memref<8000x80xi32, #tpu.memory_space<hbm>> -> memref<125x80xi32, #tpu.memory_space<hbm>>
      %dma_start3A_108 = arith.constant 0 : i32
      %dma_start3A_109 = tpu.memref_slice %arg3[%add3A_15, %dma_start3A_108] : memref<8000x80xi32, #tpu.memory_space<hbm>> -> memref<125x80xi32, #tpu.memory_space<hbm>>
      tpu.enqueue_dma source(%dma_start3A_109 : memref<125x80xi32, #tpu.memory_space<hbm>>) target(%arg6 : memref<125x80xi32, #tpu.memory_space<vmem>>) target_semaphore(%run_scoped3A : memref<!tpu.dma_semaphore, #tpu.memory_space<semaphore_mem>>)
      %dma_wait3A_110 = arith.constant 0 : i32
      %dma_wait3A_111 = tpu.memref_slice %arg3[%add3A_15, %dma_wait3A_110] : memref<8000x80xi32, #tpu.memory_space<hbm>> -> memref<125x80xi32, #tpu.memory_space<hbm>>
      %dma_wait3A_112 = arith.constant 0 : i32
      %dma_wait3A_113 = tpu.memref_slice %arg3[%add3A_15, %dma_wait3A_112] : memref<8000x80xi32, #tpu.memory_space<hbm>> -> memref<125x80xi32, #tpu.memory_space<hbm>>
      tpu.wait_dma2 semaphore(%run_scoped3A : memref<!tpu.dma_semaphore, #tpu.memory_space<semaphore_mem>>) src(%dma_wait3A_113 : memref<125x80xi32, #tpu.memory_space<hbm>>) dst(%arg6 : memref<125x80xi32, #tpu.memory_space<vmem>>)
      tpu.yield
    }) : () -> ()
    %barrier3A = arith.constant 0 : index
    tpu.barrier barrier_id(%barrier3A)
    %dma_start3A = arith.constant 0 : i32
    %dma_start3A_16 = arith.constant 0 : i32
    %dma_start3A_17 = tpu.memref_slice %arg5[%dma_start3A, %dma_start3A_16] : memref<125x80xi32, #tpu.memory_space<vmem>> -> memref<1x80xi32, #tpu.memory_space<vmem>>
    %dma_start3A_18 = tpu.memref_squeeze %dma_start3A_17 : memref<1x80xi32, #tpu.memory_space<vmem>> -> memref<80xi32, #tpu.memory_space<vmem>>
    %dma_start3A_19 = arith.constant 0 : i32
    %dma_start3A_20 = arith.constant 0 : i32
    %dma_start3A_21 = tpu.memref_slice %arg10[%dma_start3A_19, %dma_start3A_20] : memref<10112x16xf32, #tpu.memory_space<vmem_shared>> -> memref<10112x16xf32, #tpu.memory_space<vmem_shared>>
    tpu.enqueue_indirect_dma source(%dma_start3A_21 : memref<10112x16xf32, #tpu.memory_space<vmem_shared>>) target(%arg7 : memref<80x16xf32, #tpu.memory_space<vmem>>) offsets(%dma_start3A_18 : memref<80xi32, #tpu.memory_space<vmem>>) semaphore(%arg12 : memref<!tpu.dma_semaphore, #tpu.memory_space<semaphore_mem>>)
    %dma_wait3A = arith.constant 0 : i32
    %dma_wait3A_22 = arith.constant 0 : i32
    %dma_wait3A_23 = tpu.memref_slice %arg5[%dma_wait3A, %dma_wait3A_22] : memref<125x80xi32, #tpu.memory_space<vmem>> -> memref<1x80xi32, #tpu.memory_space<vmem>>
    %dma_wait3A_24 = tpu.memref_squeeze %dma_wait3A_23 : memref<1x80xi32, #tpu.memory_space<vmem>> -> memref<80xi32, #tpu.memory_space<vmem>>
    %dma_wait3A_25 = arith.constant 0 : i32
    %dma_wait3A_26 = arith.constant 0 : i32
    %dma_wait3A_27 = tpu.memref_slice %arg10[%dma_wait3A_25, %dma_wait3A_26] : memref<10112x16xf32, #tpu.memory_space<vmem_shared>> -> memref<10112x16xf32, #tpu.memory_space<vmem_shared>>
    tpu.wait_indirect_dma semaphore(%arg12 : memref<!tpu.dma_semaphore, #tpu.memory_space<semaphore_mem>>) src(%dma_wait3A_27 : memref<10112x16xf32, #tpu.memory_space<vmem_shared>>) dst(%arg7 : memref<80x16xf32, #tpu.memory_space<vmem>>)
    %dma_start3A_28 = arith.constant 0 : i32
    %dma_start3A_29 = arith.constant 0 : i32
    %dma_start3A_30 = tpu.memref_slice %arg6[%dma_start3A_28, %dma_start3A_29] : memref<125x80xi32, #tpu.memory_space<vmem>> -> memref<1x80xi32, #tpu.memory_space<vmem>>
    %dma_start3A_31 = tpu.memref_squeeze %dma_start3A_30 : memref<1x80xi32, #tpu.memory_space<vmem>> -> memref<80xi32, #tpu.memory_space<vmem>>
    %dma_start3A_32 = arith.constant 0 : i32
    %dma_start3A_33 = arith.constant 0 : i32
    %dma_start3A_34 = tpu.memref_slice %arg11[%dma_start3A_32, %dma_start3A_33] : memref<10112x16xf32, #tpu.memory_space<vmem_shared>> -> memref<10112x16xf32, #tpu.memory_space<vmem_shared>>
    tpu.enqueue_indirect_dma source(%arg7 : memref<80x16xf32, #tpu.memory_space<vmem>>) target(%dma_start3A_34 : memref<10112x16xf32, #tpu.memory_space<vmem_shared>>) offsets(%dma_start3A_31 : memref<80xi32, #tpu.memory_space<vmem>>) semaphore(%arg14 : memref<!tpu.dma_semaphore, #tpu.memory_space<semaphore_mem>>) {add = true}
    %dma_start3A_35 = arith.constant 1 : i32
    %dma_start3A_36 = arith.constant 0 : i32
    %dma_start3A_37 = tpu.memref_slice %arg5[%dma_start3A_35, %dma_start3A_36] : memref<125x80xi32, #tpu.memory_space<vmem>> -> memref<1x80xi32, #tpu.memory_space<vmem>>
    %dma_start3A_38 = tpu.memref_squeeze %dma_start3A_37 : memref<1x80xi32, #tpu.memory_space<vmem>> -> memref<80xi32, #tpu.memory_space<vmem>>
    %dma_start3A_39 = arith.constant 0 : i32
    %dma_start3A_40 = arith.constant 0 : i32
    %dma_start3A_41 = tpu.memref_slice %arg10[%dma_start3A_39, %dma_start3A_40] : memref<10112x16xf32, #tpu.memory_space<vmem_shared>> -> memref<10112x16xf32, #tpu.memory_space<vmem_shared>>
    tpu.enqueue_indirect_dma source(%dma_start3A_41 : memref<10112x16xf32, #tpu.memory_space<vmem_shared>>) target(%arg8 : memref<80x16xf32, #tpu.memory_space<vmem>>) offsets(%dma_start3A_38 : memref<80xi32, #tpu.memory_space<vmem>>) semaphore(%arg13 : memref<!tpu.dma_semaphore, #tpu.memory_space<semaphore_mem>>)
    %scan3A_42 = arith.constant 0 : i32
    %scan3A_43 = arith.constant 0 : i32
    %scan3A_44 = arith.constant 61 : i32
    %scan3A_45 = arith.addi %scan3A_43, %scan3A_44 : i32
    %scan3A_46 = arith.constant 1 : i32
    %scan3A_47 = scf.for %scan3A_106 = %scan3A_43 to %scan3A_45 step %scan3A_46 iter_args(%scan3A_107 = %scan3A_42) -> (i32)  : i32 {
      %mul3A_108 = arith.constant 2 : i32
      %mul3A_109 = arith.muli %mul3A_108, %scan3A_106 : i32
      %add3A_110 = arith.constant 1 : i32
      %add3A_111 = arith.addi %add3A_110, %mul3A_109 : i32
      %dma_wait3A_112 = arith.constant 0 : i32
      %dma_wait3A_113 = arith.constant 0 : i32
      %dma_wait3A_114 = tpu.memref_slice %arg6[%dma_wait3A_112, %dma_wait3A_113] : memref<125x80xi32, #tpu.memory_space<vmem>> -> memref<1x80xi32, #tpu.memory_space<vmem>>
      %dma_wait3A_115 = tpu.memref_squeeze %dma_wait3A_114 : memref<1x80xi32, #tpu.memory_space<vmem>> -> memref<80xi32, #tpu.memory_space<vmem>>
      %dma_wait3A_116 = arith.constant 0 : i32
      %dma_wait3A_117 = arith.constant 0 : i32
      %dma_wait3A_118 = tpu.memref_slice %arg11[%dma_wait3A_116, %dma_wait3A_117] : memref<10112x16xf32, #tpu.memory_space<vmem_shared>> -> memref<10112x16xf32, #tpu.memory_space<vmem_shared>>
      tpu.wait_indirect_dma semaphore(%arg14 : memref<!tpu.dma_semaphore, #tpu.memory_space<semaphore_mem>>) src(%arg7 : memref<80x16xf32, #tpu.memory_space<vmem>>) dst(%dma_wait3A_118 : memref<10112x16xf32, #tpu.memory_space<vmem_shared>>)
      %add3A_119 = arith.constant 1 : i32
      %add3A_120 = arith.addi %add3A_111, %add3A_119 : i32
      %dma_start3A_121 = arith.constant 0 : i32
      %dma_start3A_122 = tpu.memref_slice %arg5[%add3A_120, %dma_start3A_121] : memref<125x80xi32, #tpu.memory_space<vmem>> -> memref<1x80xi32, #tpu.memory_space<vmem>>
      %dma_start3A_123 = tpu.memref_squeeze %dma_start3A_122 : memref<1x80xi32, #tpu.memory_space<vmem>> -> memref<80xi32, #tpu.memory_space<vmem>>
      %dma_start3A_124 = arith.constant 0 : i32
      %dma_start3A_125 = arith.constant 0 : i32
      %dma_start3A_126 = tpu.memref_slice %arg10[%dma_start3A_124, %dma_start3A_125] : memref<10112x16xf32, #tpu.memory_space<vmem_shared>> -> memref<10112x16xf32, #tpu.memory_space<vmem_shared>>
      tpu.enqueue_indirect_dma source(%dma_start3A_126 : memref<10112x16xf32, #tpu.memory_space<vmem_shared>>) target(%arg7 : memref<80x16xf32, #tpu.memory_space<vmem>>) offsets(%dma_start3A_123 : memref<80xi32, #tpu.memory_space<vmem>>) semaphore(%arg12 : memref<!tpu.dma_semaphore, #tpu.memory_space<semaphore_mem>>)
      %dma_wait3A_127 = arith.constant 0 : i32
      %dma_wait3A_128 = arith.constant 0 : i32
      %dma_wait3A_129 = tpu.memref_slice %arg5[%dma_wait3A_127, %dma_wait3A_128] : memref<125x80xi32, #tpu.memory_space<vmem>> -> memref<1x80xi32, #tpu.memory_space<vmem>>
      %dma_wait3A_130 = tpu.memref_squeeze %dma_wait3A_129 : memref<1x80xi32, #tpu.memory_space<vmem>> -> memref<80xi32, #tpu.memory_space<vmem>>
      %dma_wait3A_131 = arith.constant 0 : i32
      %dma_wait3A_132 = arith.constant 0 : i32
      %dma_wait3A_133 = tpu.memref_slice %arg10[%dma_wait3A_131, %dma_wait3A_132] : memref<10112x16xf32, #tpu.memory_space<vmem_shared>> -> memref<10112x16xf32, #tpu.memory_space<vmem_shared>>
      tpu.wait_indirect_dma semaphore(%arg13 : memref<!tpu.dma_semaphore, #tpu.memory_space<semaphore_mem>>) src(%dma_wait3A_133 : memref<10112x16xf32, #tpu.memory_space<vmem_shared>>) dst(%arg8 : memref<80x16xf32, #tpu.memory_space<vmem>>)
      %dma_start3A_134 = arith.constant 0 : i32
      %dma_start3A_135 = tpu.memref_slice %arg6[%add3A_111, %dma_start3A_134] : memref<125x80xi32, #tpu.memory_space<vmem>> -> memref<1x80xi32, #tpu.memory_space<vmem>>
      %dma_start3A_136 = tpu.memref_squeeze %dma_start3A_135 : memref<1x80xi32, #tpu.memory_space<vmem>> -> memref<80xi32, #tpu.memory_space<vmem>>
      %dma_start3A_137 = arith.constant 0 : i32
      %dma_start3A_138 = arith.constant 0 : i32
      %dma_start3A_139 = tpu.memref_slice %arg11[%dma_start3A_137, %dma_start3A_138] : memref<10112x16xf32, #tpu.memory_space<vmem_shared>> -> memref<10112x16xf32, #tpu.memory_space<vmem_shared>>
      tpu.enqueue_indirect_dma source(%arg8 : memref<80x16xf32, #tpu.memory_space<vmem>>) target(%dma_start3A_139 : memref<10112x16xf32, #tpu.memory_space<vmem_shared>>) offsets(%dma_start3A_136 : memref<80xi32, #tpu.memory_space<vmem>>) semaphore(%arg15 : memref<!tpu.dma_semaphore, #tpu.memory_space<semaphore_mem>>) {add = true}
      %add3A_140 = arith.constant 1 : i32
      %add3A_141 = arith.addi %add3A_111, %add3A_140 : i32
      %dma_wait3A_142 = arith.constant 0 : i32
      %dma_wait3A_143 = arith.constant 0 : i32
      %dma_wait3A_144 = tpu.memref_slice %arg6[%dma_wait3A_142, %dma_wait3A_143] : memref<125x80xi32, #tpu.memory_space<vmem>> -> memref<1x80xi32, #tpu.memory_space<vmem>>
      %dma_wait3A_145 = tpu.memref_squeeze %dma_wait3A_144 : memref<1x80xi32, #tpu.memory_space<vmem>> -> memref<80xi32, #tpu.memory_space<vmem>>
      %dma_wait3A_146 = arith.constant 0 : i32
      %dma_wait3A_147 = arith.constant 0 : i32
      %dma_wait3A_148 = tpu.memref_slice %arg11[%dma_wait3A_146, %dma_wait3A_147] : memref<10112x16xf32, #tpu.memory_space<vmem_shared>> -> memref<10112x16xf32, #tpu.memory_space<vmem_shared>>
      tpu.wait_indirect_dma semaphore(%arg15 : memref<!tpu.dma_semaphore, #tpu.memory_space<semaphore_mem>>) src(%arg8 : memref<80x16xf32, #tpu.memory_space<vmem>>) dst(%dma_wait3A_148 : memref<10112x16xf32, #tpu.memory_space<vmem_shared>>)
      %add3A_149 = arith.constant 1 : i32
      %add3A_150 = arith.addi %add3A_141, %add3A_149 : i32
      %dma_start3A_151 = arith.constant 0 : i32
      %dma_start3A_152 = tpu.memref_slice %arg5[%add3A_150, %dma_start3A_151] : memref<125x80xi32, #tpu.memory_space<vmem>> -> memref<1x80xi32, #tpu.memory_space<vmem>>
      %dma_start3A_153 = tpu.memref_squeeze %dma_start3A_152 : memref<1x80xi32, #tpu.memory_space<vmem>> -> memref<80xi32, #tpu.memory_space<vmem>>
      %dma_start3A_154 = arith.constant 0 : i32
      %dma_start3A_155 = arith.constant 0 : i32
      %dma_start3A_156 = tpu.memref_slice %arg10[%dma_start3A_154, %dma_start3A_155] : memref<10112x16xf32, #tpu.memory_space<vmem_shared>> -> memref<10112x16xf32, #tpu.memory_space<vmem_shared>>
      tpu.enqueue_indirect_dma source(%dma_start3A_156 : memref<10112x16xf32, #tpu.memory_space<vmem_shared>>) target(%arg8 : memref<80x16xf32, #tpu.memory_space<vmem>>) offsets(%dma_start3A_153 : memref<80xi32, #tpu.memory_space<vmem>>) semaphore(%arg13 : memref<!tpu.dma_semaphore, #tpu.memory_space<semaphore_mem>>)
      %dma_wait3A_157 = arith.constant 0 : i32
      %dma_wait3A_158 = arith.constant 0 : i32
      %dma_wait3A_159 = tpu.memref_slice %arg5[%dma_wait3A_157, %dma_wait3A_158] : memref<125x80xi32, #tpu.memory_space<vmem>> -> memref<1x80xi32, #tpu.memory_space<vmem>>
      %dma_wait3A_160 = tpu.memref_squeeze %dma_wait3A_159 : memref<1x80xi32, #tpu.memory_space<vmem>> -> memref<80xi32, #tpu.memory_space<vmem>>
      %dma_wait3A_161 = arith.constant 0 : i32
      %dma_wait3A_162 = arith.constant 0 : i32
      %dma_wait3A_163 = tpu.memref_slice %arg10[%dma_wait3A_161, %dma_wait3A_162] : memref<10112x16xf32, #tpu.memory_space<vmem_shared>> -> memref<10112x16xf32, #tpu.memory_space<vmem_shared>>
      tpu.wait_indirect_dma semaphore(%arg12 : memref<!tpu.dma_semaphore, #tpu.memory_space<semaphore_mem>>) src(%dma_wait3A_163 : memref<10112x16xf32, #tpu.memory_space<vmem_shared>>) dst(%arg7 : memref<80x16xf32, #tpu.memory_space<vmem>>)
      %dma_start3A_164 = arith.constant 0 : i32
      %dma_start3A_165 = tpu.memref_slice %arg6[%add3A_141, %dma_start3A_164] : memref<125x80xi32, #tpu.memory_space<vmem>> -> memref<1x80xi32, #tpu.memory_space<vmem>>
      %dma_start3A_166 = tpu.memref_squeeze %dma_start3A_165 : memref<1x80xi32, #tpu.memory_space<vmem>> -> memref<80xi32, #tpu.memory_space<vmem>>
      %dma_start3A_167 = arith.constant 0 : i32
      %dma_start3A_168 = arith.constant 0 : i32
      %dma_start3A_169 = tpu.memref_slice %arg11[%dma_start3A_167, %dma_start3A_168] : memref<10112x16xf32, #tpu.memory_space<vmem_shared>> -> memref<10112x16xf32, #tpu.memory_space<vmem_shared>>
      tpu.enqueue_indirect_dma source(%arg7 : memref<80x16xf32, #tpu.memory_space<vmem>>) target(%dma_start3A_169 : memref<10112x16xf32, #tpu.memory_space<vmem_shared>>) offsets(%dma_start3A_166 : memref<80xi32, #tpu.memory_space<vmem>>) semaphore(%arg14 : memref<!tpu.dma_semaphore, #tpu.memory_space<semaphore_mem>>) {add = true}
      %scan3A_170 = arith.constant 0 : i32
      scf.yield %scan3A_170 : i32
    }
    %scan3A_48 = arith.constant 61 : i32
    %dma_wait3A_49 = arith.constant 0 : i32
    %dma_wait3A_50 = arith.constant 0 : i32
    %dma_wait3A_51 = tpu.memref_slice %arg6[%dma_wait3A_49, %dma_wait3A_50] : memref<125x80xi32, #tpu.memory_space<vmem>> -> memref<1x80xi32, #tpu.memory_space<vmem>>
    %dma_wait3A_52 = tpu.memref_squeeze %dma_wait3A_51 : memref<1x80xi32, #tpu.memory_space<vmem>> -> memref<80xi32, #tpu.memory_space<vmem>>
    %dma_wait3A_53 = arith.constant 0 : i32
    %dma_wait3A_54 = arith.constant 0 : i32
    %dma_wait3A_55 = tpu.memref_slice %arg11[%dma_wait3A_53, %dma_wait3A_54] : memref<10112x16xf32, #tpu.memory_space<vmem_shared>> -> memref<10112x16xf32, #tpu.memory_space<vmem_shared>>
    tpu.wait_indirect_dma semaphore(%arg14 : memref<!tpu.dma_semaphore, #tpu.memory_space<semaphore_mem>>) src(%arg7 : memref<80x16xf32, #tpu.memory_space<vmem>>) dst(%dma_wait3A_55 : memref<10112x16xf32, #tpu.memory_space<vmem_shared>>)
    %dma_start3A_56 = arith.constant 124 : i32
    %dma_start3A_57 = arith.constant 0 : i32
    %dma_start3A_58 = tpu.memref_slice %arg5[%dma_start3A_56, %dma_start3A_57] : memref<125x80xi32, #tpu.memory_space<vmem>> -> memref<1x80xi32, #tpu.memory_space<vmem>>
    %dma_start3A_59 = tpu.memref_squeeze %dma_start3A_58 : memref<1x80xi32, #tpu.memory_space<vmem>> -> memref<80xi32, #tpu.memory_space<vmem>>
    %dma_start3A_60 = arith.constant 0 : i32
    %dma_start3A_61 = arith.constant 0 : i32
    %dma_start3A_62 = tpu.memref_slice %arg10[%dma_start3A_60, %dma_start3A_61] : memref<10112x16xf32, #tpu.memory_space<vmem_shared>> -> memref<10112x16xf32, #tpu.memory_space<vmem_shared>>
    tpu.enqueue_indirect_dma source(%dma_start3A_62 : memref<10112x16xf32, #tpu.memory_space<vmem_shared>>) target(%arg7 : memref<80x16xf32, #tpu.memory_space<vmem>>) offsets(%dma_start3A_59 : memref<80xi32, #tpu.memory_space<vmem>>) semaphore(%arg12 : memref<!tpu.dma_semaphore, #tpu.memory_space<semaphore_mem>>)
    %dma_wait3A_63 = arith.constant 0 : i32
    %dma_wait3A_64 = arith.constant 0 : i32
    %dma_wait3A_65 = tpu.memref_slice %arg5[%dma_wait3A_63, %dma_wait3A_64] : memref<125x80xi32, #tpu.memory_space<vmem>> -> memref<1x80xi32, #tpu.memory_space<vmem>>
    %dma_wait3A_66 = tpu.memref_squeeze %dma_wait3A_65 : memref<1x80xi32, #tpu.memory_space<vmem>> -> memref<80xi32, #tpu.memory_space<vmem>>
    %dma_wait3A_67 = arith.constant 0 : i32
    %dma_wait3A_68 = arith.constant 0 : i32
    %dma_wait3A_69 = tpu.memref_slice %arg10[%dma_wait3A_67, %dma_wait3A_68] : memref<10112x16xf32, #tpu.memory_space<vmem_shared>> -> memref<10112x16xf32, #tpu.memory_space<vmem_shared>>
    tpu.wait_indirect_dma semaphore(%arg13 : memref<!tpu.dma_semaphore, #tpu.memory_space<semaphore_mem>>) src(%dma_wait3A_69 : memref<10112x16xf32, #tpu.memory_space<vmem_shared>>) dst(%arg8 : memref<80x16xf32, #tpu.memory_space<vmem>>)
    %dma_start3A_70 = arith.constant 123 : i32
    %dma_start3A_71 = arith.constant 0 : i32
    %dma_start3A_72 = tpu.memref_slice %arg6[%dma_start3A_70, %dma_start3A_71] : memref<125x80xi32, #tpu.memory_space<vmem>> -> memref<1x80xi32, #tpu.memory_space<vmem>>
    %dma_start3A_73 = tpu.memref_squeeze %dma_start3A_72 : memref<1x80xi32, #tpu.memory_space<vmem>> -> memref<80xi32, #tpu.memory_space<vmem>>
    %dma_start3A_74 = arith.constant 0 : i32
    %dma_start3A_75 = arith.constant 0 : i32
    %dma_start3A_76 = tpu.memref_slice %arg11[%dma_start3A_74, %dma_start3A_75] : memref<10112x16xf32, #tpu.memory_space<vmem_shared>> -> memref<10112x16xf32, #tpu.memory_space<vmem_shared>>
    tpu.enqueue_indirect_dma source(%arg8 : memref<80x16xf32, #tpu.memory_space<vmem>>) target(%dma_start3A_76 : memref<10112x16xf32, #tpu.memory_space<vmem_shared>>) offsets(%dma_start3A_73 : memref<80xi32, #tpu.memory_space<vmem>>) semaphore(%arg15 : memref<!tpu.dma_semaphore, #tpu.memory_space<semaphore_mem>>) {add = true}
    %dma_wait3A_77 = arith.constant 0 : i32
    %dma_wait3A_78 = arith.constant 0 : i32
    %dma_wait3A_79 = tpu.memref_slice %arg5[%dma_wait3A_77, %dma_wait3A_78] : memref<125x80xi32, #tpu.memory_space<vmem>> -> memref<1x80xi32, #tpu.memory_space<vmem>>
    %dma_wait3A_80 = tpu.memref_squeeze %dma_wait3A_79 : memref<1x80xi32, #tpu.memory_space<vmem>> -> memref<80xi32, #tpu.memory_space<vmem>>
    %dma_wait3A_81 = arith.constant 0 : i32
    %dma_wait3A_82 = arith.constant 0 : i32
    %dma_wait3A_83 = tpu.memref_slice %arg10[%dma_wait3A_81, %dma_wait3A_82] : memref<10112x16xf32, #tpu.memory_space<vmem_shared>> -> memref<10112x16xf32, #tpu.memory_space<vmem_shared>>
    tpu.wait_indirect_dma semaphore(%arg12 : memref<!tpu.dma_semaphore, #tpu.memory_space<semaphore_mem>>) src(%dma_wait3A_83 : memref<10112x16xf32, #tpu.memory_space<vmem_shared>>) dst(%arg7 : memref<80x16xf32, #tpu.memory_space<vmem>>)
    %dma_start3A_84 = arith.constant 124 : i32
    %dma_start3A_85 = arith.constant 0 : i32
    %dma_start3A_86 = tpu.memref_slice %arg6[%dma_start3A_84, %dma_start3A_85] : memref<125x80xi32, #tpu.memory_space<vmem>> -> memref<1x80xi32, #tpu.memory_space<vmem>>
    %dma_start3A_87 = tpu.memref_squeeze %dma_start3A_86 : memref<1x80xi32, #tpu.memory_space<vmem>> -> memref<80xi32, #tpu.memory_space<vmem>>
    %dma_start3A_88 = arith.constant 0 : i32
    %dma_start3A_89 = arith.constant 0 : i32
    %dma_start3A_90 = tpu.memref_slice %arg11[%dma_start3A_88, %dma_start3A_89] : memref<10112x16xf32, #tpu.memory_space<vmem_shared>> -> memref<10112x16xf32, #tpu.memory_space<vmem_shared>>
    tpu.enqueue_indirect_dma source(%arg7 : memref<80x16xf32, #tpu.memory_space<vmem>>) target(%dma_start3A_90 : memref<10112x16xf32, #tpu.memory_space<vmem_shared>>) offsets(%dma_start3A_87 : memref<80xi32, #tpu.memory_space<vmem>>) semaphore(%arg14 : memref<!tpu.dma_semaphore, #tpu.memory_space<semaphore_mem>>) {add = true}
    %dma_wait3A_91 = arith.constant 0 : i32
    %dma_wait3A_92 = arith.constant 0 : i32
    %dma_wait3A_93 = tpu.memref_slice %arg6[%dma_wait3A_91, %dma_wait3A_92] : memref<125x80xi32, #tpu.memory_space<vmem>> -> memref<1x80xi32, #tpu.memory_space<vmem>>
    %dma_wait3A_94 = tpu.memref_squeeze %dma_wait3A_93 : memref<1x80xi32, #tpu.memory_space<vmem>> -> memref<80xi32, #tpu.memory_space<vmem>>
    %dma_wait3A_95 = arith.constant 0 : i32
    %dma_wait3A_96 = arith.constant 0 : i32
    %dma_wait3A_97 = tpu.memref_slice %arg11[%dma_wait3A_95, %dma_wait3A_96] : memref<10112x16xf32, #tpu.memory_space<vmem_shared>> -> memref<10112x16xf32, #tpu.memory_space<vmem_shared>>
    tpu.wait_indirect_dma semaphore(%arg15 : memref<!tpu.dma_semaphore, #tpu.memory_space<semaphore_mem>>) src(%arg8 : memref<80x16xf32, #tpu.memory_space<vmem>>) dst(%dma_wait3A_97 : memref<10112x16xf32, #tpu.memory_space<vmem_shared>>)
    %dma_wait3A_98 = arith.constant 0 : i32
    %dma_wait3A_99 = arith.constant 0 : i32
    %dma_wait3A_100 = tpu.memref_slice %arg6[%dma_wait3A_98, %dma_wait3A_99] : memref<125x80xi32, #tpu.memory_space<vmem>> -> memref<1x80xi32, #tpu.memory_space<vmem>>
    %dma_wait3A_101 = tpu.memref_squeeze %dma_wait3A_100 : memref<1x80xi32, #tpu.memory_space<vmem>> -> memref<80xi32, #tpu.memory_space<vmem>>
    %dma_wait3A_102 = arith.constant 0 : i32
    %dma_wait3A_103 = arith.constant 0 : i32
    %dma_wait3A_104 = tpu.memref_slice %arg11[%dma_wait3A_102, %dma_wait3A_103] : memref<10112x16xf32, #tpu.memory_space<vmem_shared>> -> memref<10112x16xf32, #tpu.memory_space<vmem_shared>>
    tpu.wait_indirect_dma semaphore(%arg14 : memref<!tpu.dma_semaphore, #tpu.memory_space<semaphore_mem>>) src(%arg7 : memref<80x16xf32, #tpu.memory_space<vmem>>) dst(%dma_wait3A_104 : memref<10112x16xf32, #tpu.memory_space<vmem_shared>>)
    %barrier3A_105 = arith.constant 0 : index
    tpu.barrier barrier_id(%barrier3A_105)
    "tpu.region"() ({
      %run_scoped3A = tpu.sem_alloc : memref<!tpu.dma_semaphore, #tpu.memory_space<semaphore_mem>>
      %dma_start3A_106 = arith.constant 0 : i32
      %dma_start3A_107 = tpu.memref_slice %arg4[%arg0, %mul3A_3, %dma_start3A_106] : memref<2x10112x16xf32, #tpu.memory_space<hbm>> -> memref<1x632x16xf32, #tpu.memory_space<hbm>>
      %dma_start3A_108 = tpu.memref_squeeze %dma_start3A_107 : memref<1x632x16xf32, #tpu.memory_space<hbm>> -> memref<632x16xf32, #tpu.memory_space<hbm>>
      %dma_start3A_109 = arith.constant 0 : i32
      %dma_start3A_110 = tpu.memref_slice %arg11[%mul3A_3, %dma_start3A_109] : memref<10112x16xf32, #tpu.memory_space<vmem_shared>> -> memref<632x16xf32, #tpu.memory_space<vmem_shared>>
      tpu.enqueue_dma source(%dma_start3A_110 : memref<632x16xf32, #tpu.memory_space<vmem_shared>>) target(%dma_start3A_108 : memref<632x16xf32, #tpu.memory_space<hbm>>) target_semaphore(%run_scoped3A : memref<!tpu.dma_semaphore, #tpu.memory_space<semaphore_mem>>)
      %dma_wait3A_111 = arith.constant 0 : i32
      %dma_wait3A_112 = tpu.memref_slice %arg4[%arg0, %mul3A_3, %dma_wait3A_111] : memref<2x10112x16xf32, #tpu.memory_space<hbm>> -> memref<1x632x16xf32, #tpu.memory_space<hbm>>
      %dma_wait3A_113 = tpu.memref_squeeze %dma_wait3A_112 : memref<1x632x16xf32, #tpu.memory_space<hbm>> -> memref<632x16xf32, #tpu.memory_space<hbm>>
      %dma_wait3A_114 = arith.constant 0 : i32
      %dma_wait3A_115 = tpu.memref_slice %arg11[%mul3A_3, %dma_wait3A_114] : memref<10112x16xf32, #tpu.memory_space<vmem_shared>> -> memref<632x16xf32, #tpu.memory_space<vmem_shared>>
      tpu.wait_dma2 semaphore(%run_scoped3A : memref<!tpu.dma_semaphore, #tpu.memory_space<semaphore_mem>>) src(%dma_wait3A_115 : memref<632x16xf32, #tpu.memory_space<vmem_shared>>) dst(%dma_wait3A_113 : memref<632x16xf32, #tpu.memory_space<hbm>>)
      tpu.yield
    }) : () -> ()
    return
  }
}

#map = affine_map<(d0, d1) -> (0, 0)>
#map1 = affine_map<(d0, d1) -> (0, 0, 0)>
module attributes {stable_mosaic.version = 14 : i64} {
  func.func @_agg_sc(%arg0: i32, %arg1: i32, %arg2: memref<10112x16xf32, #tpu.memory_space<hbm>>, %arg3: memref<8000x80xi32, #tpu.memory_space<hbm>>, %arg4: memref<2x10112x16xf32, #tpu.memory_space<hbm>>, %arg5: memref<125x80xi32, #tpu.memory_space<vmem>>, %arg6: memref<125x80xi32, #tpu.memory_space<vmem>>, %arg7: memref<80x16xf32, #tpu.memory_space<vmem>>, %arg8: memref<80x16xf32, #tpu.memory_space<vmem>>, %arg9: memref<632x16xf32, #tpu.memory_space<vmem>>, %arg10: memref<10112x16xf32, #tpu.memory_space<vmem_shared>>, %arg11: memref<10112x16xf32, #tpu.memory_space<vmem_shared>>, %arg12: memref<!tpu.dma_semaphore, #tpu.memory_space<semaphore_mem>>, %arg13: memref<!tpu.dma_semaphore, #tpu.memory_space<semaphore_mem>>, %arg14: memref<!tpu.dma_semaphore, #tpu.memory_space<semaphore_mem>>, %arg15: memref<!tpu.dma_semaphore, #tpu.memory_space<semaphore_mem>>) attributes {dimension_semantics = [#tpu.dimension_semantics<core_parallel>, #tpu.dimension_semantics<subcore_parallel>], iteration_bounds = array<i64: 2, 16>, scalar_prefetch = 0 : i64, scratch_operands = 11 : i64, tpu.core_type = #tpu.core_type<sc_vector_subcore>, window_params = [{transform_indices = #map}, {transform_indices = #map}, {transform_indices = #map1}]} {
    %mul3A = arith.constant 16 : i32
    %mul3A_0 = arith.muli %arg0, %mul3A : i32
    %add3A = arith.addi %mul3A_0, %arg1 : i32
    %broadcast_in_dim3A = arith.constant 0.000000e+00 : f32
    %broadcast_in_dim3A_1 = vector.broadcast %broadcast_in_dim3A : f32 to vector<16xf32>
    %mul3A_2 = arith.constant 632 : i32
    %mul3A_3 = arith.muli %arg1, %mul3A_2 : i32
    "tpu.region"() ({
      %run_scoped3A = tpu.sem_alloc : memref<!tpu.dma_semaphore, #tpu.memory_space<semaphore_mem>>
      %dma_start3A_106 = arith.constant 0 : i32
      %dma_start3A_107 = tpu.memref_slice %arg10[%mul3A_3, %dma_start3A_106] : memref<10112x16xf32, #tpu.memory_space<vmem_shared>> -> memref<632x16xf32, #tpu.memory_space<vmem_shared>>
      %dma_start3A_108 = arith.constant 0 : i32
      %dma_start3A_109 = tpu.memref_slice %arg2[%mul3A_3, %dma_start3A_108] : memref<10112x16xf32, #tpu.memory_space<hbm>> -> memref<632x16xf32, #tpu.memory_space<hbm>>
      tpu.enqueue_dma source(%dma_start3A_109 : memref<632x16xf32, #tpu.memory_space<hbm>>) target(%dma_start3A_107 : memref<632x16xf32, #tpu.memory_space<vmem_shared>>) target_semaphore(%run_scoped3A : memref<!tpu.dma_semaphore, #tpu.memory_space<semaphore_mem>>)
      %dma_wait3A_110 = arith.constant 0 : i32
      %dma_wait3A_111 = tpu.memref_slice %arg10[%mul3A_3, %dma_wait3A_110] : memref<10112x16xf32, #tpu.memory_space<vmem_shared>> -> memref<632x16xf32, #tpu.memory_space<vmem_shared>>
      %dma_wait3A_112 = arith.constant 0 : i32
      %dma_wait3A_113 = tpu.memref_slice %arg2[%mul3A_3, %dma_wait3A_112] : memref<10112x16xf32, #tpu.memory_space<hbm>> -> memref<632x16xf32, #tpu.memory_space<hbm>>
      tpu.wait_dma2 semaphore(%run_scoped3A : memref<!tpu.dma_semaphore, #tpu.memory_space<semaphore_mem>>) src(%dma_wait3A_113 : memref<632x16xf32, #tpu.memory_space<hbm>>) dst(%dma_wait3A_111 : memref<632x16xf32, #tpu.memory_space<vmem_shared>>)
      tpu.yield
    }) : () -> ()
    %scan3A = arith.constant 0 : i32
    %scan3A_4 = arith.constant 0 : i32
    %scan3A_5 = arith.constant 632 : i32
    %scan3A_6 = arith.addi %scan3A_4, %scan3A_5 : i32
    %scan3A_7 = arith.constant 1 : i32
    %scan3A_8 = scf.for %scan3A_106 = %scan3A_4 to %scan3A_6 step %scan3A_7 iter_args(%scan3A_107 = %scan3A) -> (i32)  : i32 {
      %swap3A = arith.index_cast %scan3A_106 : i32 to index
      %swap3A_108 = arith.constant 0 : index
      %swap3A_109 = tpu.vector_load %arg9[%swap3A, %swap3A_108] {strides = array<i32>} : memref<632x16xf32, #tpu.memory_space<vmem>>, vector<1x16xf32>,
      %swap3A_110 = vector.shape_cast %swap3A_109 : vector<1x16xf32> to vector<16xf32>
      %swap3A_111 = vector.shape_cast %broadcast_in_dim3A_1 : vector<16xf32> to vector<1x16xf32>
      tpu.vector_store %arg9[%swap3A, %swap3A_108], %swap3A_111 {strides = array<i32>} : memref<632x16xf32, #tpu.memory_space<vmem>>, vector<1x16xf32>,
      %scan3A_112 = arith.constant 0 : i32
      scf.yield %scan3A_112 : i32
    }
    %scan3A_9 = arith.constant 632 : i32
    "tpu.region"() ({
      %run_scoped3A = tpu.sem_alloc : memref<!tpu.dma_semaphore, #tpu.memory_space<semaphore_mem>>
      %dma_start3A_106 = arith.constant 0 : i32
      %dma_start3A_107 = tpu.memref_slice %arg11[%mul3A_3, %dma_start3A_106] : memref<10112x16xf32, #tpu.memory_space<vmem_shared>> -> memref<632x16xf32, #tpu.memory_space<vmem_shared>>
      %dma_start3A_108 = arith.constant 0 : i32
      %dma_start3A_109 = tpu.memref_slice %arg11[%mul3A_3, %dma_start3A_108] : memref<10112x16xf32, #tpu.memory_space<vmem_shared>> -> memref<632x16xf32, #tpu.memory_space<vmem_shared>>
      tpu.enqueue_dma source(%arg9 : memref<632x16xf32, #tpu.memory_space<vmem>>) target(%dma_start3A_109 : memref<632x16xf32, #tpu.memory_space<vmem_shared>>) target_semaphore(%run_scoped3A : memref<!tpu.dma_semaphore, #tpu.memory_space<semaphore_mem>>)
      %dma_wait3A_110 = arith.constant 0 : i32
      %dma_wait3A_111 = tpu.memref_slice %arg11[%mul3A_3, %dma_wait3A_110] : memref<10112x16xf32, #tpu.memory_space<vmem_shared>> -> memref<632x16xf32, #tpu.memory_space<vmem_shared>>
      %dma_wait3A_112 = arith.constant 0 : i32
      %dma_wait3A_113 = tpu.memref_slice %arg11[%mul3A_3, %dma_wait3A_112] : memref<10112x16xf32, #tpu.memory_space<vmem_shared>> -> memref<632x16xf32, #tpu.memory_space<vmem_shared>>
      tpu.wait_dma2 semaphore(%run_scoped3A : memref<!tpu.dma_semaphore, #tpu.memory_space<semaphore_mem>>) src(%arg9 : memref<632x16xf32, #tpu.memory_space<vmem>>) dst(%dma_wait3A_113 : memref<632x16xf32, #tpu.memory_space<vmem_shared>>)
      tpu.yield
    }) : () -> ()
    %mul3A_10 = arith.constant 125 : i32
    %mul3A_11 = arith.muli %add3A, %mul3A_10 : i32
    "tpu.region"() ({
      %run_scoped3A = tpu.sem_alloc : memref<!tpu.dma_semaphore, #tpu.memory_space<semaphore_mem>>
      %dma_start3A_106 = arith.constant 0 : i32
      %dma_start3A_107 = tpu.memref_slice %arg3[%mul3A_11, %dma_start3A_106] : memref<8000x80xi32, #tpu.memory_space<hbm>> -> memref<125x80xi32, #tpu.memory_space<hbm>>
      %dma_start3A_108 = arith.constant 0 : i32
      %dma_start3A_109 = tpu.memref_slice %arg3[%mul3A_11, %dma_start3A_108] : memref<8000x80xi32, #tpu.memory_space<hbm>> -> memref<125x80xi32, #tpu.memory_space<hbm>>
      tpu.enqueue_dma source(%dma_start3A_109 : memref<125x80xi32, #tpu.memory_space<hbm>>) target(%arg5 : memref<125x80xi32, #tpu.memory_space<vmem>>) target_semaphore(%run_scoped3A : memref<!tpu.dma_semaphore, #tpu.memory_space<semaphore_mem>>)
      %dma_wait3A_110 = arith.constant 0 : i32
      %dma_wait3A_111 = tpu.memref_slice %arg3[%mul3A_11, %dma_wait3A_110] : memref<8000x80xi32, #tpu.memory_space<hbm>> -> memref<125x80xi32, #tpu.memory_space<hbm>>
      %dma_wait3A_112 = arith.constant 0 : i32
      %dma_wait3A_113 = tpu.memref_slice %arg3[%mul3A_11, %dma_wait3A_112] : memref<8000x80xi32, #tpu.memory_space<hbm>> -> memref<125x80xi32, #tpu.memory_space<hbm>>
      tpu.wait_dma2 semaphore(%run_scoped3A : memref<!tpu.dma_semaphore, #tpu.memory_space<semaphore_mem>>) src(%dma_wait3A_113 : memref<125x80xi32, #tpu.memory_space<hbm>>) dst(%arg5 : memref<125x80xi32, #tpu.memory_space<vmem>>)
      tpu.yield
    }) : () -> ()
    %mul3A_12 = arith.constant 125 : i32
    %mul3A_13 = arith.muli %add3A, %mul3A_12 : i32
    %add3A_14 = arith.constant 4000 : i32
    %add3A_15 = arith.addi %add3A_14, %mul3A_13 : i32
    "tpu.region"() ({
      %run_scoped3A = tpu.sem_alloc : memref<!tpu.dma_semaphore, #tpu.memory_space<semaphore_mem>>
      %dma_start3A_106 = arith.constant 0 : i32
      %dma_start3A_107 = tpu.memref_slice %arg3[%add3A_15, %dma_start3A_106] : memref<8000x80xi32, #tpu.memory_space<hbm>> -> memref<125x80xi32, #tpu.memory_space<hbm>>
      %dma_start3A_108 = arith.constant 0 : i32
      %dma_start3A_109 = tpu.memref_slice %arg3[%add3A_15, %dma_start3A_108] : memref<8000x80xi32, #tpu.memory_space<hbm>> -> memref<125x80xi32, #tpu.memory_space<hbm>>
      tpu.enqueue_dma source(%dma_start3A_109 : memref<125x80xi32, #tpu.memory_space<hbm>>) target(%arg6 : memref<125x80xi32, #tpu.memory_space<vmem>>) target_semaphore(%run_scoped3A : memref<!tpu.dma_semaphore, #tpu.memory_space<semaphore_mem>>)
      %dma_wait3A_110 = arith.constant 0 : i32
      %dma_wait3A_111 = tpu.memref_slice %arg3[%add3A_15, %dma_wait3A_110] : memref<8000x80xi32, #tpu.memory_space<hbm>> -> memref<125x80xi32, #tpu.memory_space<hbm>>
      %dma_wait3A_112 = arith.constant 0 : i32
      %dma_wait3A_113 = tpu.memref_slice %arg3[%add3A_15, %dma_wait3A_112] : memref<8000x80xi32, #tpu.memory_space<hbm>> -> memref<125x80xi32, #tpu.memory_space<hbm>>
      tpu.wait_dma2 semaphore(%run_scoped3A : memref<!tpu.dma_semaphore, #tpu.memory_space<semaphore_mem>>) src(%dma_wait3A_113 : memref<125x80xi32, #tpu.memory_space<hbm>>) dst(%arg6 : memref<125x80xi32, #tpu.memory_space<vmem>>)
      tpu.yield
    }) : () -> ()
    %barrier3A = arith.constant 0 : index
    tpu.barrier barrier_id(%barrier3A)
    %dma_start3A = arith.constant 0 : i32
    %dma_start3A_16 = arith.constant 0 : i32
    %dma_start3A_17 = tpu.memref_slice %arg5[%dma_start3A, %dma_start3A_16] : memref<125x80xi32, #tpu.memory_space<vmem>> -> memref<1x80xi32, #tpu.memory_space<vmem>>
    %dma_start3A_18 = tpu.memref_squeeze %dma_start3A_17 : memref<1x80xi32, #tpu.memory_space<vmem>> -> memref<80xi32, #tpu.memory_space<vmem>>
    %dma_start3A_19 = arith.constant 0 : i32
    %dma_start3A_20 = arith.constant 0 : i32
    %dma_start3A_21 = tpu.memref_slice %arg10[%dma_start3A_19, %dma_start3A_20] : memref<10112x16xf32, #tpu.memory_space<vmem_shared>> -> memref<10112x16xf32, #tpu.memory_space<vmem_shared>>
    tpu.enqueue_indirect_dma source(%dma_start3A_21 : memref<10112x16xf32, #tpu.memory_space<vmem_shared>>) target(%arg7 : memref<80x16xf32, #tpu.memory_space<vmem>>) offsets(%dma_start3A_18 : memref<80xi32, #tpu.memory_space<vmem>>) semaphore(%arg12 : memref<!tpu.dma_semaphore, #tpu.memory_space<semaphore_mem>>)
    %dma_wait3A = arith.constant 0 : i32
    %dma_wait3A_22 = arith.constant 0 : i32
    %dma_wait3A_23 = tpu.memref_slice %arg5[%dma_wait3A, %dma_wait3A_22] : memref<125x80xi32, #tpu.memory_space<vmem>> -> memref<1x80xi32, #tpu.memory_space<vmem>>
    %dma_wait3A_24 = tpu.memref_squeeze %dma_wait3A_23 : memref<1x80xi32, #tpu.memory_space<vmem>> -> memref<80xi32, #tpu.memory_space<vmem>>
    %dma_wait3A_25 = arith.constant 0 : i32
    %dma_wait3A_26 = arith.constant 0 : i32
    %dma_wait3A_27 = tpu.memref_slice %arg10[%dma_wait3A_25, %dma_wait3A_26] : memref<10112x16xf32, #tpu.memory_space<vmem_shared>> -> memref<10112x16xf32, #tpu.memory_space<vmem_shared>>
    tpu.wait_indirect_dma semaphore(%arg12 : memref<!tpu.dma_semaphore, #tpu.memory_space<semaphore_mem>>) src(%dma_wait3A_27 : memref<10112x16xf32, #tpu.memory_space<vmem_shared>>) dst(%arg7 : memref<80x16xf32, #tpu.memory_space<vmem>>)
    %dma_start3A_28 = arith.constant 0 : i32
    %dma_start3A_29 = arith.constant 0 : i32
    %dma_start3A_30 = tpu.memref_slice %arg6[%dma_start3A_28, %dma_start3A_29] : memref<125x80xi32, #tpu.memory_space<vmem>> -> memref<1x80xi32, #tpu.memory_space<vmem>>
    %dma_start3A_31 = tpu.memref_squeeze %dma_start3A_30 : memref<1x80xi32, #tpu.memory_space<vmem>> -> memref<80xi32, #tpu.memory_space<vmem>>
    %dma_start3A_32 = arith.constant 0 : i32
    %dma_start3A_33 = arith.constant 0 : i32
    %dma_start3A_34 = tpu.memref_slice %arg11[%dma_start3A_32, %dma_start3A_33] : memref<10112x16xf32, #tpu.memory_space<vmem_shared>> -> memref<10112x16xf32, #tpu.memory_space<vmem_shared>>
    tpu.enqueue_indirect_dma source(%arg7 : memref<80x16xf32, #tpu.memory_space<vmem>>) target(%dma_start3A_34 : memref<10112x16xf32, #tpu.memory_space<vmem_shared>>) offsets(%dma_start3A_31 : memref<80xi32, #tpu.memory_space<vmem>>) semaphore(%arg14 : memref<!tpu.dma_semaphore, #tpu.memory_space<semaphore_mem>>) {add = true}
    %dma_start3A_35 = arith.constant 1 : i32
    %dma_start3A_36 = arith.constant 0 : i32
    %dma_start3A_37 = tpu.memref_slice %arg5[%dma_start3A_35, %dma_start3A_36] : memref<125x80xi32, #tpu.memory_space<vmem>> -> memref<1x80xi32, #tpu.memory_space<vmem>>
    %dma_start3A_38 = tpu.memref_squeeze %dma_start3A_37 : memref<1x80xi32, #tpu.memory_space<vmem>> -> memref<80xi32, #tpu.memory_space<vmem>>
    %dma_start3A_39 = arith.constant 0 : i32
    %dma_start3A_40 = arith.constant 0 : i32
    %dma_start3A_41 = tpu.memref_slice %arg10[%dma_start3A_39, %dma_start3A_40] : memref<10112x16xf32, #tpu.memory_space<vmem_shared>> -> memref<10112x16xf32, #tpu.memory_space<vmem_shared>>
    tpu.enqueue_indirect_dma source(%dma_start3A_41 : memref<10112x16xf32, #tpu.memory_space<vmem_shared>>) target(%arg8 : memref<80x16xf32, #tpu.memory_space<vmem>>) offsets(%dma_start3A_38 : memref<80xi32, #tpu.memory_space<vmem>>) semaphore(%arg13 : memref<!tpu.dma_semaphore, #tpu.memory_space<semaphore_mem>>)
    %scan3A_42 = arith.constant 0 : i32
    %scan3A_43 = arith.constant 0 : i32
    %scan3A_44 = arith.constant 61 : i32
    %scan3A_45 = arith.addi %scan3A_43, %scan3A_44 : i32
    %scan3A_46 = arith.constant 1 : i32
    %scan3A_47 = scf.for %scan3A_106 = %scan3A_43 to %scan3A_45 step %scan3A_46 iter_args(%scan3A_107 = %scan3A_42) -> (i32)  : i32 {
      %mul3A_108 = arith.constant 2 : i32
      %mul3A_109 = arith.muli %mul3A_108, %scan3A_106 : i32
      %add3A_110 = arith.constant 1 : i32
      %add3A_111 = arith.addi %add3A_110, %mul3A_109 : i32
      %dma_wait3A_112 = arith.constant 0 : i32
      %dma_wait3A_113 = arith.constant 0 : i32
      %dma_wait3A_114 = tpu.memref_slice %arg6[%dma_wait3A_112, %dma_wait3A_113] : memref<125x80xi32, #tpu.memory_space<vmem>> -> memref<1x80xi32, #tpu.memory_space<vmem>>
      %dma_wait3A_115 = tpu.memref_squeeze %dma_wait3A_114 : memref<1x80xi32, #tpu.memory_space<vmem>> -> memref<80xi32, #tpu.memory_space<vmem>>
      %dma_wait3A_116 = arith.constant 0 : i32
      %dma_wait3A_117 = arith.constant 0 : i32
      %dma_wait3A_118 = tpu.memref_slice %arg11[%dma_wait3A_116, %dma_wait3A_117] : memref<10112x16xf32, #tpu.memory_space<vmem_shared>> -> memref<10112x16xf32, #tpu.memory_space<vmem_shared>>
      tpu.wait_indirect_dma semaphore(%arg14 : memref<!tpu.dma_semaphore, #tpu.memory_space<semaphore_mem>>) src(%arg7 : memref<80x16xf32, #tpu.memory_space<vmem>>) dst(%dma_wait3A_118 : memref<10112x16xf32, #tpu.memory_space<vmem_shared>>)
      %add3A_119 = arith.constant 1 : i32
      %add3A_120 = arith.addi %add3A_111, %add3A_119 : i32
      %dma_start3A_121 = arith.constant 0 : i32
      %dma_start3A_122 = tpu.memref_slice %arg5[%add3A_120, %dma_start3A_121] : memref<125x80xi32, #tpu.memory_space<vmem>> -> memref<1x80xi32, #tpu.memory_space<vmem>>
      %dma_start3A_123 = tpu.memref_squeeze %dma_start3A_122 : memref<1x80xi32, #tpu.memory_space<vmem>> -> memref<80xi32, #tpu.memory_space<vmem>>
      %dma_start3A_124 = arith.constant 0 : i32
      %dma_start3A_125 = arith.constant 0 : i32
      %dma_start3A_126 = tpu.memref_slice %arg10[%dma_start3A_124, %dma_start3A_125] : memref<10112x16xf32, #tpu.memory_space<vmem_shared>> -> memref<10112x16xf32, #tpu.memory_space<vmem_shared>>
      tpu.enqueue_indirect_dma source(%dma_start3A_126 : memref<10112x16xf32, #tpu.memory_space<vmem_shared>>) target(%arg7 : memref<80x16xf32, #tpu.memory_space<vmem>>) offsets(%dma_start3A_123 : memref<80xi32, #tpu.memory_space<vmem>>) semaphore(%arg12 : memref<!tpu.dma_semaphore, #tpu.memory_space<semaphore_mem>>)
      %dma_wait3A_127 = arith.constant 0 : i32
      %dma_wait3A_128 = arith.constant 0 : i32
      %dma_wait3A_129 = tpu.memref_slice %arg5[%dma_wait3A_127, %dma_wait3A_128] : memref<125x80xi32, #tpu.memory_space<vmem>> -> memref<1x80xi32, #tpu.memory_space<vmem>>
      %dma_wait3A_130 = tpu.memref_squeeze %dma_wait3A_129 : memref<1x80xi32, #tpu.memory_space<vmem>> -> memref<80xi32, #tpu.memory_space<vmem>>
      %dma_wait3A_131 = arith.constant 0 : i32
      %dma_wait3A_132 = arith.constant 0 : i32
      %dma_wait3A_133 = tpu.memref_slice %arg10[%dma_wait3A_131, %dma_wait3A_132] : memref<10112x16xf32, #tpu.memory_space<vmem_shared>> -> memref<10112x16xf32, #tpu.memory_space<vmem_shared>>
      tpu.wait_indirect_dma semaphore(%arg13 : memref<!tpu.dma_semaphore, #tpu.memory_space<semaphore_mem>>) src(%dma_wait3A_133 : memref<10112x16xf32, #tpu.memory_space<vmem_shared>>) dst(%arg8 : memref<80x16xf32, #tpu.memory_space<vmem>>)
      %dma_start3A_134 = arith.constant 0 : i32
      %dma_start3A_135 = tpu.memref_slice %arg6[%add3A_111, %dma_start3A_134] : memref<125x80xi32, #tpu.memory_space<vmem>> -> memref<1x80xi32, #tpu.memory_space<vmem>>
      %dma_start3A_136 = tpu.memref_squeeze %dma_start3A_135 : memref<1x80xi32, #tpu.memory_space<vmem>> -> memref<80xi32, #tpu.memory_space<vmem>>
      %dma_start3A_137 = arith.constant 0 : i32
      %dma_start3A_138 = arith.constant 0 : i32
      %dma_start3A_139 = tpu.memref_slice %arg11[%dma_start3A_137, %dma_start3A_138] : memref<10112x16xf32, #tpu.memory_space<vmem_shared>> -> memref<10112x16xf32, #tpu.memory_space<vmem_shared>>
      tpu.enqueue_indirect_dma source(%arg8 : memref<80x16xf32, #tpu.memory_space<vmem>>) target(%dma_start3A_139 : memref<10112x16xf32, #tpu.memory_space<vmem_shared>>) offsets(%dma_start3A_136 : memref<80xi32, #tpu.memory_space<vmem>>) semaphore(%arg15 : memref<!tpu.dma_semaphore, #tpu.memory_space<semaphore_mem>>) {add = true}
      %add3A_140 = arith.constant 1 : i32
      %add3A_141 = arith.addi %add3A_111, %add3A_140 : i32
      %dma_wait3A_142 = arith.constant 0 : i32
      %dma_wait3A_143 = arith.constant 0 : i32
      %dma_wait3A_144 = tpu.memref_slice %arg6[%dma_wait3A_142, %dma_wait3A_143] : memref<125x80xi32, #tpu.memory_space<vmem>> -> memref<1x80xi32, #tpu.memory_space<vmem>>
      %dma_wait3A_145 = tpu.memref_squeeze %dma_wait3A_144 : memref<1x80xi32, #tpu.memory_space<vmem>> -> memref<80xi32, #tpu.memory_space<vmem>>
      %dma_wait3A_146 = arith.constant 0 : i32
      %dma_wait3A_147 = arith.constant 0 : i32
      %dma_wait3A_148 = tpu.memref_slice %arg11[%dma_wait3A_146, %dma_wait3A_147] : memref<10112x16xf32, #tpu.memory_space<vmem_shared>> -> memref<10112x16xf32, #tpu.memory_space<vmem_shared>>
      tpu.wait_indirect_dma semaphore(%arg15 : memref<!tpu.dma_semaphore, #tpu.memory_space<semaphore_mem>>) src(%arg8 : memref<80x16xf32, #tpu.memory_space<vmem>>) dst(%dma_wait3A_148 : memref<10112x16xf32, #tpu.memory_space<vmem_shared>>)
      %add3A_149 = arith.constant 1 : i32
      %add3A_150 = arith.addi %add3A_141, %add3A_149 : i32
      %dma_start3A_151 = arith.constant 0 : i32
      %dma_start3A_152 = tpu.memref_slice %arg5[%add3A_150, %dma_start3A_151] : memref<125x80xi32, #tpu.memory_space<vmem>> -> memref<1x80xi32, #tpu.memory_space<vmem>>
      %dma_start3A_153 = tpu.memref_squeeze %dma_start3A_152 : memref<1x80xi32, #tpu.memory_space<vmem>> -> memref<80xi32, #tpu.memory_space<vmem>>
      %dma_start3A_154 = arith.constant 0 : i32
      %dma_start3A_155 = arith.constant 0 : i32
      %dma_start3A_156 = tpu.memref_slice %arg10[%dma_start3A_154, %dma_start3A_155] : memref<10112x16xf32, #tpu.memory_space<vmem_shared>> -> memref<10112x16xf32, #tpu.memory_space<vmem_shared>>
      tpu.enqueue_indirect_dma source(%dma_start3A_156 : memref<10112x16xf32, #tpu.memory_space<vmem_shared>>) target(%arg8 : memref<80x16xf32, #tpu.memory_space<vmem>>) offsets(%dma_start3A_153 : memref<80xi32, #tpu.memory_space<vmem>>) semaphore(%arg13 : memref<!tpu.dma_semaphore, #tpu.memory_space<semaphore_mem>>)
      %dma_wait3A_157 = arith.constant 0 : i32
      %dma_wait3A_158 = arith.constant 0 : i32
      %dma_wait3A_159 = tpu.memref_slice %arg5[%dma_wait3A_157, %dma_wait3A_158] : memref<125x80xi32, #tpu.memory_space<vmem>> -> memref<1x80xi32, #tpu.memory_space<vmem>>
      %dma_wait3A_160 = tpu.memref_squeeze %dma_wait3A_159 : memref<1x80xi32, #tpu.memory_space<vmem>> -> memref<80xi32, #tpu.memory_space<vmem>>
      %dma_wait3A_161 = arith.constant 0 : i32
      %dma_wait3A_162 = arith.constant 0 : i32
      %dma_wait3A_163 = tpu.memref_slice %arg10[%dma_wait3A_161, %dma_wait3A_162] : memref<10112x16xf32, #tpu.memory_space<vmem_shared>> -> memref<10112x16xf32, #tpu.memory_space<vmem_shared>>
      tpu.wait_indirect_dma semaphore(%arg12 : memref<!tpu.dma_semaphore, #tpu.memory_space<semaphore_mem>>) src(%dma_wait3A_163 : memref<10112x16xf32, #tpu.memory_space<vmem_shared>>) dst(%arg7 : memref<80x16xf32, #tpu.memory_space<vmem>>)
      %dma_start3A_164 = arith.constant 0 : i32
      %dma_start3A_165 = tpu.memref_slice %arg6[%add3A_141, %dma_start3A_164] : memref<125x80xi32, #tpu.memory_space<vmem>> -> memref<1x80xi32, #tpu.memory_space<vmem>>
      %dma_start3A_166 = tpu.memref_squeeze %dma_start3A_165 : memref<1x80xi32, #tpu.memory_space<vmem>> -> memref<80xi32, #tpu.memory_space<vmem>>
      %dma_start3A_167 = arith.constant 0 : i32
      %dma_start3A_168 = arith.constant 0 : i32
      %dma_start3A_169 = tpu.memref_slice %arg11[%dma_start3A_167, %dma_start3A_168] : memref<10112x16xf32, #tpu.memory_space<vmem_shared>> -> memref<10112x16xf32, #tpu.memory_space<vmem_shared>>
      tpu.enqueue_indirect_dma source(%arg7 : memref<80x16xf32, #tpu.memory_space<vmem>>) target(%dma_start3A_169 : memref<10112x16xf32, #tpu.memory_space<vmem_shared>>) offsets(%dma_start3A_166 : memref<80xi32, #tpu.memory_space<vmem>>) semaphore(%arg14 : memref<!tpu.dma_semaphore, #tpu.memory_space<semaphore_mem>>) {add = true}
      %scan3A_170 = arith.constant 0 : i32
      scf.yield %scan3A_170 : i32
    }
    %scan3A_48 = arith.constant 61 : i32
    %dma_wait3A_49 = arith.constant 0 : i32
    %dma_wait3A_50 = arith.constant 0 : i32
    %dma_wait3A_51 = tpu.memref_slice %arg6[%dma_wait3A_49, %dma_wait3A_50] : memref<125x80xi32, #tpu.memory_space<vmem>> -> memref<1x80xi32, #tpu.memory_space<vmem>>
    %dma_wait3A_52 = tpu.memref_squeeze %dma_wait3A_51 : memref<1x80xi32, #tpu.memory_space<vmem>> -> memref<80xi32, #tpu.memory_space<vmem>>
    %dma_wait3A_53 = arith.constant 0 : i32
    %dma_wait3A_54 = arith.constant 0 : i32
    %dma_wait3A_55 = tpu.memref_slice %arg11[%dma_wait3A_53, %dma_wait3A_54] : memref<10112x16xf32, #tpu.memory_space<vmem_shared>> -> memref<10112x16xf32, #tpu.memory_space<vmem_shared>>
    tpu.wait_indirect_dma semaphore(%arg14 : memref<!tpu.dma_semaphore, #tpu.memory_space<semaphore_mem>>) src(%arg7 : memref<80x16xf32, #tpu.memory_space<vmem>>) dst(%dma_wait3A_55 : memref<10112x16xf32, #tpu.memory_space<vmem_shared>>)
    %dma_start3A_56 = arith.constant 124 : i32
    %dma_start3A_57 = arith.constant 0 : i32
    %dma_start3A_58 = tpu.memref_slice %arg5[%dma_start3A_56, %dma_start3A_57] : memref<125x80xi32, #tpu.memory_space<vmem>> -> memref<1x80xi32, #tpu.memory_space<vmem>>
    %dma_start3A_59 = tpu.memref_squeeze %dma_start3A_58 : memref<1x80xi32, #tpu.memory_space<vmem>> -> memref<80xi32, #tpu.memory_space<vmem>>
    %dma_start3A_60 = arith.constant 0 : i32
    %dma_start3A_61 = arith.constant 0 : i32
    %dma_start3A_62 = tpu.memref_slice %arg10[%dma_start3A_60, %dma_start3A_61] : memref<10112x16xf32, #tpu.memory_space<vmem_shared>> -> memref<10112x16xf32, #tpu.memory_space<vmem_shared>>
    tpu.enqueue_indirect_dma source(%dma_start3A_62 : memref<10112x16xf32, #tpu.memory_space<vmem_shared>>) target(%arg7 : memref<80x16xf32, #tpu.memory_space<vmem>>) offsets(%dma_start3A_59 : memref<80xi32, #tpu.memory_space<vmem>>) semaphore(%arg12 : memref<!tpu.dma_semaphore, #tpu.memory_space<semaphore_mem>>)
    %dma_wait3A_63 = arith.constant 0 : i32
    %dma_wait3A_64 = arith.constant 0 : i32
    %dma_wait3A_65 = tpu.memref_slice %arg5[%dma_wait3A_63, %dma_wait3A_64] : memref<125x80xi32, #tpu.memory_space<vmem>> -> memref<1x80xi32, #tpu.memory_space<vmem>>
    %dma_wait3A_66 = tpu.memref_squeeze %dma_wait3A_65 : memref<1x80xi32, #tpu.memory_space<vmem>> -> memref<80xi32, #tpu.memory_space<vmem>>
    %dma_wait3A_67 = arith.constant 0 : i32
    %dma_wait3A_68 = arith.constant 0 : i32
    %dma_wait3A_69 = tpu.memref_slice %arg10[%dma_wait3A_67, %dma_wait3A_68] : memref<10112x16xf32, #tpu.memory_space<vmem_shared>> -> memref<10112x16xf32, #tpu.memory_space<vmem_shared>>
    tpu.wait_indirect_dma semaphore(%arg13 : memref<!tpu.dma_semaphore, #tpu.memory_space<semaphore_mem>>) src(%dma_wait3A_69 : memref<10112x16xf32, #tpu.memory_space<vmem_shared>>) dst(%arg8 : memref<80x16xf32, #tpu.memory_space<vmem>>)
    %dma_start3A_70 = arith.constant 123 : i32
    %dma_start3A_71 = arith.constant 0 : i32
    %dma_start3A_72 = tpu.memref_slice %arg6[%dma_start3A_70, %dma_start3A_71] : memref<125x80xi32, #tpu.memory_space<vmem>> -> memref<1x80xi32, #tpu.memory_space<vmem>>
    %dma_start3A_73 = tpu.memref_squeeze %dma_start3A_72 : memref<1x80xi32, #tpu.memory_space<vmem>> -> memref<80xi32, #tpu.memory_space<vmem>>
    %dma_start3A_74 = arith.constant 0 : i32
    %dma_start3A_75 = arith.constant 0 : i32
    %dma_start3A_76 = tpu.memref_slice %arg11[%dma_start3A_74, %dma_start3A_75] : memref<10112x16xf32, #tpu.memory_space<vmem_shared>> -> memref<10112x16xf32, #tpu.memory_space<vmem_shared>>
    tpu.enqueue_indirect_dma source(%arg8 : memref<80x16xf32, #tpu.memory_space<vmem>>) target(%dma_start3A_76 : memref<10112x16xf32, #tpu.memory_space<vmem_shared>>) offsets(%dma_start3A_73 : memref<80xi32, #tpu.memory_space<vmem>>) semaphore(%arg15 : memref<!tpu.dma_semaphore, #tpu.memory_space<semaphore_mem>>) {add = true}
    %dma_wait3A_77 = arith.constant 0 : i32
    %dma_wait3A_78 = arith.constant 0 : i32
    %dma_wait3A_79 = tpu.memref_slice %arg5[%dma_wait3A_77, %dma_wait3A_78] : memref<125x80xi32, #tpu.memory_space<vmem>> -> memref<1x80xi32, #tpu.memory_space<vmem>>
    %dma_wait3A_80 = tpu.memref_squeeze %dma_wait3A_79 : memref<1x80xi32, #tpu.memory_space<vmem>> -> memref<80xi32, #tpu.memory_space<vmem>>
    %dma_wait3A_81 = arith.constant 0 : i32
    %dma_wait3A_82 = arith.constant 0 : i32
    %dma_wait3A_83 = tpu.memref_slice %arg10[%dma_wait3A_81, %dma_wait3A_82] : memref<10112x16xf32, #tpu.memory_space<vmem_shared>> -> memref<10112x16xf32, #tpu.memory_space<vmem_shared>>
    tpu.wait_indirect_dma semaphore(%arg12 : memref<!tpu.dma_semaphore, #tpu.memory_space<semaphore_mem>>) src(%dma_wait3A_83 : memref<10112x16xf32, #tpu.memory_space<vmem_shared>>) dst(%arg7 : memref<80x16xf32, #tpu.memory_space<vmem>>)
    %dma_start3A_84 = arith.constant 124 : i32
    %dma_start3A_85 = arith.constant 0 : i32
    %dma_start3A_86 = tpu.memref_slice %arg6[%dma_start3A_84, %dma_start3A_85] : memref<125x80xi32, #tpu.memory_space<vmem>> -> memref<1x80xi32, #tpu.memory_space<vmem>>
    %dma_start3A_87 = tpu.memref_squeeze %dma_start3A_86 : memref<1x80xi32, #tpu.memory_space<vmem>> -> memref<80xi32, #tpu.memory_space<vmem>>
    %dma_start3A_88 = arith.constant 0 : i32
    %dma_start3A_89 = arith.constant 0 : i32
    %dma_start3A_90 = tpu.memref_slice %arg11[%dma_start3A_88, %dma_start3A_89] : memref<10112x16xf32, #tpu.memory_space<vmem_shared>> -> memref<10112x16xf32, #tpu.memory_space<vmem_shared>>
    tpu.enqueue_indirect_dma source(%arg7 : memref<80x16xf32, #tpu.memory_space<vmem>>) target(%dma_start3A_90 : memref<10112x16xf32, #tpu.memory_space<vmem_shared>>) offsets(%dma_start3A_87 : memref<80xi32, #tpu.memory_space<vmem>>) semaphore(%arg14 : memref<!tpu.dma_semaphore, #tpu.memory_space<semaphore_mem>>) {add = true}
    %dma_wait3A_91 = arith.constant 0 : i32
    %dma_wait3A_92 = arith.constant 0 : i32
    %dma_wait3A_93 = tpu.memref_slice %arg6[%dma_wait3A_91, %dma_wait3A_92] : memref<125x80xi32, #tpu.memory_space<vmem>> -> memref<1x80xi32, #tpu.memory_space<vmem>>
    %dma_wait3A_94 = tpu.memref_squeeze %dma_wait3A_93 : memref<1x80xi32, #tpu.memory_space<vmem>> -> memref<80xi32, #tpu.memory_space<vmem>>
    %dma_wait3A_95 = arith.constant 0 : i32
    %dma_wait3A_96 = arith.constant 0 : i32
    %dma_wait3A_97 = tpu.memref_slice %arg11[%dma_wait3A_95, %dma_wait3A_96] : memref<10112x16xf32, #tpu.memory_space<vmem_shared>> -> memref<10112x16xf32, #tpu.memory_space<vmem_shared>>
    tpu.wait_indirect_dma semaphore(%arg15 : memref<!tpu.dma_semaphore, #tpu.memory_space<semaphore_mem>>) src(%arg8 : memref<80x16xf32, #tpu.memory_space<vmem>>) dst(%dma_wait3A_97 : memref<10112x16xf32, #tpu.memory_space<vmem_shared>>)
    %dma_wait3A_98 = arith.constant 0 : i32
    %dma_wait3A_99 = arith.constant 0 : i32
    %dma_wait3A_100 = tpu.memref_slice %arg6[%dma_wait3A_98, %dma_wait3A_99] : memref<125x80xi32, #tpu.memory_space<vmem>> -> memref<1x80xi32, #tpu.memory_space<vmem>>
    %dma_wait3A_101 = tpu.memref_squeeze %dma_wait3A_100 : memref<1x80xi32, #tpu.memory_space<vmem>> -> memref<80xi32, #tpu.memory_space<vmem>>
    %dma_wait3A_102 = arith.constant 0 : i32
    %dma_wait3A_103 = arith.constant 0 : i32
    %dma_wait3A_104 = tpu.memref_slice %arg11[%dma_wait3A_102, %dma_wait3A_103] : memref<10112x16xf32, #tpu.memory_space<vmem_shared>> -> memref<10112x16xf32, #tpu.memory_space<vmem_shared>>
    tpu.wait_indirect_dma semaphore(%arg14 : memref<!tpu.dma_semaphore, #tpu.memory_space<semaphore_mem>>) src(%arg7 : memref<80x16xf32, #tpu.memory_space<vmem>>) dst(%dma_wait3A_104 : memref<10112x16xf32, #tpu.memory_space<vmem_shared>>)
    %barrier3A_105 = arith.constant 0 : index
    tpu.barrier barrier_id(%barrier3A_105)
    "tpu.region"() ({
      %run_scoped3A = tpu.sem_alloc : memref<!tpu.dma_semaphore, #tpu.memory_space<semaphore_mem>>
      %dma_start3A_106 = arith.constant 0 : i32
      %dma_start3A_107 = tpu.memref_slice %arg4[%arg0, %mul3A_3, %dma_start3A_106] : memref<2x10112x16xf32, #tpu.memory_space<hbm>> -> memref<1x632x16xf32, #tpu.memory_space<hbm>>
      %dma_start3A_108 = tpu.memref_squeeze %dma_start3A_107 : memref<1x632x16xf32, #tpu.memory_space<hbm>> -> memref<632x16xf32, #tpu.memory_space<hbm>>
      %dma_start3A_109 = arith.constant 0 : i32
      %dma_start3A_110 = tpu.memref_slice %arg11[%mul3A_3, %dma_start3A_109] : memref<10112x16xf32, #tpu.memory_space<vmem_shared>> -> memref<632x16xf32, #tpu.memory_space<vmem_shared>>
      tpu.enqueue_dma source(%dma_start3A_110 : memref<632x16xf32, #tpu.memory_space<vmem_shared>>) target(%dma_start3A_108 : memref<632x16xf32, #tpu.memory_space<hbm>>) target_semaphore(%run_scoped3A : memref<!tpu.dma_semaphore, #tpu.memory_space<semaphore_mem>>)
      %dma_wait3A_111 = arith.constant 0 : i32
      %dma_wait3A_112 = tpu.memref_slice %arg4[%arg0, %mul3A_3, %dma_wait3A_111] : memref<2x10112x16xf32, #tpu.memory_space<hbm>> -> memref<1x632x16xf32, #tpu.memory_space<hbm>>
      %dma_wait3A_113 = tpu.memref_squeeze %dma_wait3A_112 : memref<1x632x16xf32, #tpu.memory_space<hbm>> -> memref<632x16xf32, #tpu.memory_space<hbm>>
      %dma_wait3A_114 = arith.constant 0 : i32
      %dma_wait3A_115 = tpu.memref_slice %arg11[%mul3A_3, %dma_wait3A_114] : memref<10112x16xf32, #tpu.memory_space<vmem_shared>> -> memref<632x16xf32, #tpu.memory_space<vmem_shared>>
      tpu.wait_dma2 semaphore(%run_scoped3A : memref<!tpu.dma_semaphore, #tpu.memory_space<semaphore_mem>>) src(%dma_wait3A_115 : memref<632x16xf32, #tpu.memory_space<vmem_shared>>) dst(%dma_wait3A_113 : memref<632x16xf32, #tpu.memory_space<hbm>>)
      tpu.yield
    }) : () -> ()
    return
  }
}

module attributes {stable_mosaic.version = 14 : i64} {
  func.func @_prep_body(%arg0: memref<1250x1024xf32, #tpu.memory_space<vmem>>, %arg1: memref<1024x128xf32, #tpu.memory_space<vmem>>, %arg2: memref<2x1264x128xf32, #tpu.memory_space<vmem>>, %arg3: memref<1264x128xf32, #tpu.memory_space<vmem>>, %arg4: memref<1264x128xf32, #tpu.memory_space<vmem>>) attributes {dimension_semantics = [], scalar_prefetch = 0 : i64, scratch_operands = 0 : i64, tpu.core_type = #tpu.core_type<tc>} {
    %get3A = arith.constant 0 : index
    %get3A_0 = arith.constant 0 : index
    %get3A_1 = arith.constant 0 : index
    %get3A_2 = vector.load %arg2[%get3A, %get3A_0, %get3A_1] : memref<2x1264x128xf32, #tpu.memory_space<vmem>>, vector<1x1264x128xf32>
    %get3A_3 = vector.shape_cast %get3A_2 : vector<1x1264x128xf32> to vector<1264x128xf32>
    %get3A_4 = arith.constant 1 : index
    %get3A_5 = arith.constant 0 : index
    %get3A_6 = arith.constant 0 : index
    %get3A_7 = vector.load %arg2[%get3A_4, %get3A_5, %get3A_6] : memref<2x1264x128xf32, #tpu.memory_space<vmem>>, vector<1x1264x128xf32>
    %get3A_8 = vector.shape_cast %get3A_7 : vector<1x1264x128xf32> to vector<1264x128xf32>
    %add3A = arith.addf %get3A_3, %get3A_8 : vector<1264x128xf32>
    %add3A_9 = arith.constant 1.000000e+00 : f32
    %add3A_10 = vector.broadcast %add3A_9 : f32 to vector<1264x128xf32>
    %add3A_11 = arith.addf %add3A, %add3A_10 : vector<1264x128xf32>
    %rsqrt3A = math.rsqrt %add3A_11 : vector<1264x128xf32>
    %get3A_12 = arith.constant 0 : index
    %get3A_13 = arith.constant 0 : index
    %get3A_14 = vector.load %arg0[%get3A_12, %get3A_13] : memref<1250x1024xf32, #tpu.memory_space<vmem>>, vector<1250x1024xf32>
    %get3A_15 = arith.constant 0 : index
    %get3A_16 = arith.constant 0 : index
    %get3A_17 = vector.load %arg1[%get3A_15, %get3A_16] : memref<1024x128xf32, #tpu.memory_space<vmem>>, vector<1024x128xf32>
    %dot_general3A = arith.constant dense<0.000000e+00> : vector<1250x128xf32>
    %dot_general3A_18 = tpu.matmul %get3A_14, %get3A_17, %dot_general3A {dimension_numbers = #tpu.dot_dimension_numbers<[1], [0], [0], [1], [0, 0, 1, 1], [], []>, transpose_lhs_hint = false} : vector<1250x1024xf32>, vector<1024x128xf32>, vector<1250x128xf32> -> vector<1250x128xf32>
    %slice3A = vector.extract_strided_slice %rsqrt3A {offsets = [0, 0], sizes = [1250, 128], strides = [1, 1]} : vector<1264x128xf32> to vector<1250x128xf32>
    %mul3A = arith.mulf %dot_general3A_18, %slice3A : vector<1250x128xf32>
    %swap3A = arith.constant 0 : index
    %swap3A_19 = arith.constant 0 : index
    %swap3A_20 = vector.load %arg3[%swap3A, %swap3A_19] : memref<1264x128xf32, #tpu.memory_space<vmem>>, vector<1250x128xf32>
    tpu.vector_store %arg3[%swap3A, %swap3A_19], %mul3A {strides = array<i32>} : memref<1264x128xf32, #tpu.memory_space<vmem>>, vector<1250x128xf32>,
    %broadcast_in_dim3A = arith.constant 0.000000e+00 : f32
    %broadcast_in_dim3A_21 = vector.broadcast %broadcast_in_dim3A : f32 to vector<14x128xf32>
    %swap3A_22 = arith.constant 1250 : index
    %swap3A_23 = arith.constant 0 : index
    %swap3A_24 = vector.load %arg3[%swap3A_22, %swap3A_23] : memref<1264x128xf32, #tpu.memory_space<vmem>>, vector<14x128xf32>
    tpu.vector_store %arg3[%swap3A_22, %swap3A_23], %broadcast_in_dim3A_21 {strides = array<i32>} : memref<1264x128xf32, #tpu.memory_space<vmem>>, vector<14x128xf32>,
    %swap3A_25 = arith.constant 0 : index
    %swap3A_26 = arith.constant 0 : index
    %swap3A_27 = vector.load %arg4[%swap3A_25, %swap3A_26] : memref<1264x128xf32, #tpu.memory_space<vmem>>, vector<1264x128xf32>
    tpu.vector_store %arg4[%swap3A_25, %swap3A_26], %rsqrt3A {strides = array<i32>} : memref<1264x128xf32, #tpu.memory_space<vmem>>, vector<1264x128xf32>,
    return
  }
}

module attributes {stable_mosaic.version = 14 : i64} {
  func.func @_mid_body(%arg0: memref<2x1264x128xf32, #tpu.memory_space<vmem>>, %arg1: memref<1264x128xf32, #tpu.memory_space<vmem>>, %arg2: memref<1264x128xf32, #tpu.memory_space<vmem>>, %arg3: memref<1x128xf32, #tpu.memory_space<vmem>>, %arg4: memref<128x128xf32, #tpu.memory_space<vmem>>, %arg5: memref<1264x128xf32, #tpu.memory_space<vmem>>) attributes {dimension_semantics = [], scalar_prefetch = 0 : i64, scratch_operands = 0 : i64, tpu.core_type = #tpu.core_type<tc>} {
    %get3A = arith.constant 0 : index
    %get3A_0 = arith.constant 0 : index
    %get3A_1 = vector.load %arg2[%get3A, %get3A_0] : memref<1264x128xf32, #tpu.memory_space<vmem>>, vector<1264x128xf32>
    %get3A_2 = arith.constant 0 : index
    %get3A_3 = arith.constant 0 : index
    %get3A_4 = arith.constant 0 : index
    %get3A_5 = vector.load %arg0[%get3A_2, %get3A_3, %get3A_4] : memref<2x1264x128xf32, #tpu.memory_space<vmem>>, vector<1x1264x128xf32>
    %get3A_6 = vector.shape_cast %get3A_5 : vector<1x1264x128xf32> to vector<1264x128xf32>
    %get3A_7 = arith.constant 1 : index
    %get3A_8 = arith.constant 0 : index
    %get3A_9 = arith.constant 0 : index
    %get3A_10 = vector.load %arg0[%get3A_7, %get3A_8, %get3A_9] : memref<2x1264x128xf32, #tpu.memory_space<vmem>>, vector<1x1264x128xf32>
    %get3A_11 = vector.shape_cast %get3A_10 : vector<1x1264x128xf32> to vector<1264x128xf32>
    %add3A = arith.addf %get3A_6, %get3A_11 : vector<1264x128xf32>
    %get3A_12 = arith.constant 0 : index
    %get3A_13 = arith.constant 0 : index
    %get3A_14 = vector.load %arg1[%get3A_12, %get3A_13] : memref<1264x128xf32, #tpu.memory_space<vmem>>, vector<1264x128xf32>
    %add3A_15 = arith.addf %add3A, %get3A_14 : vector<1264x128xf32>
    %mul3A = arith.mulf %add3A_15, %get3A_1 : vector<1264x128xf32>
    %get3A_16 = arith.constant 0 : index
    %get3A_17 = arith.constant 0 : index
    %get3A_18 = vector.load %arg3[%get3A_16, %get3A_17] : memref<1x128xf32, #tpu.memory_space<vmem>>, vector<1x128xf32>
    %add3A_19 = vector.broadcast %get3A_18 : vector<1x128xf32> to vector<1264x128xf32>
    %add3A_20 = arith.addf %mul3A, %add3A_19 : vector<1264x128xf32>
    %max3A = arith.constant 0.000000e+00 : f32
    %max3A_21 = vector.broadcast %max3A : f32 to vector<1264x128xf32>
    %max3A_22 = arith.maximumf %add3A_20, %max3A_21 : vector<1264x128xf32>
    %get3A_23 = arith.constant 0 : index
    %get3A_24 = arith.constant 0 : index
    %get3A_25 = vector.load %arg4[%get3A_23, %get3A_24] : memref<128x128xf32, #tpu.memory_space<vmem>>, vector<128x128xf32>
    %dot_general3A = arith.constant dense<0.000000e+00> : vector<1264x128xf32>
    %dot_general3A_26 = tpu.matmul %max3A_22, %get3A_25, %dot_general3A {dimension_numbers = #tpu.dot_dimension_numbers<[1], [0], [0], [1], [0, 0, 1, 1], [], []>, transpose_lhs_hint = false} : vector<1264x128xf32>, vector<128x128xf32>, vector<1264x128xf32> -> vector<1264x128xf32>
    %mul3A_27 = arith.mulf %dot_general3A_26, %get3A_1 : vector<1264x128xf32>
    %swap3A = arith.constant 0 : index
    %swap3A_28 = arith.constant 0 : index
    %swap3A_29 = vector.load %arg5[%swap3A, %swap3A_28] : memref<1264x128xf32, #tpu.memory_space<vmem>>, vector<1264x128xf32>
    tpu.vector_store %arg5[%swap3A, %swap3A_28], %mul3A_27 {strides = array<i32>} : memref<1264x128xf32, #tpu.memory_space<vmem>>, vector<1264x128xf32>,
    return
  }
}

module attributes {stable_mosaic.version = 14 : i64} {
  func.func @_fin_body(%arg0: memref<2x1264x128xf32, #tpu.memory_space<vmem>>, %arg1: memref<1264x128xf32, #tpu.memory_space<vmem>>, %arg2: memref<1264x128xf32, #tpu.memory_space<vmem>>, %arg3: memref<1x128xf32, #tpu.memory_space<vmem>>, %arg4: memref<1250x128xf32, #tpu.memory_space<vmem>>) attributes {dimension_semantics = [], scalar_prefetch = 0 : i64, scratch_operands = 0 : i64, tpu.core_type = #tpu.core_type<tc>} {
    %get3A = arith.constant 0 : index
    %get3A_0 = arith.constant 0 : index
    %get3A_1 = arith.constant 0 : index
    %get3A_2 = vector.load %arg0[%get3A, %get3A_0, %get3A_1] : memref<2x1264x128xf32, #tpu.memory_space<vmem>>, vector<1x1250x128xf32>
    %get3A_3 = vector.shape_cast %get3A_2 : vector<1x1250x128xf32> to vector<1250x128xf32>
    %get3A_4 = arith.constant 1 : index
    %get3A_5 = arith.constant 0 : index
    %get3A_6 = arith.constant 0 : index
    %get3A_7 = vector.load %arg0[%get3A_4, %get3A_5, %get3A_6] : memref<2x1264x128xf32, #tpu.memory_space<vmem>>, vector<1x1250x128xf32>
    %get3A_8 = vector.shape_cast %get3A_7 : vector<1x1250x128xf32> to vector<1250x128xf32>
    %add3A = arith.addf %get3A_3, %get3A_8 : vector<1250x128xf32>
    %get3A_9 = arith.constant 0 : index
    %get3A_10 = arith.constant 0 : index
    %get3A_11 = vector.load %arg1[%get3A_9, %get3A_10] : memref<1264x128xf32, #tpu.memory_space<vmem>>, vector<1250x128xf32>
    %add3A_12 = arith.addf %add3A, %get3A_11 : vector<1250x128xf32>
    %get3A_13 = arith.constant 0 : index
    %get3A_14 = arith.constant 0 : index
    %get3A_15 = vector.load %arg2[%get3A_13, %get3A_14] : memref<1264x128xf32, #tpu.memory_space<vmem>>, vector<1250x128xf32>
    %mul3A = arith.mulf %add3A_12, %get3A_15 : vector<1250x128xf32>
    %get3A_16 = arith.constant 0 : index
    %get3A_17 = arith.constant 0 : index
    %get3A_18 = vector.load %arg3[%get3A_16, %get3A_17] : memref<1x128xf32, #tpu.memory_space<vmem>>, vector<1x128xf32>
    %add3A_19 = vector.broadcast %get3A_18 : vector<1x128xf32> to vector<1250x128xf32>
    %add3A_20 = arith.addf %mul3A, %add3A_19 : vector<1250x128xf32>
    %swap3A = arith.constant 0 : index
    %swap3A_21 = arith.constant 0 : index
    %swap3A_22 = vector.load %arg4[%swap3A, %swap3A_21] : memref<1250x128xf32, #tpu.memory_space<vmem>>, vector<1250x128xf32>
    tpu.vector_store %arg4[%swap3A, %swap3A_21], %add3A_20 {strides = array<i32>} : memref<1250x128xf32, #tpu.memory_space<vmem>>, vector<1250x128xf32>,
    return
  }
}

</mosaic_0001>

<sc_bundles>
// kernel: kernel.11.cloned.1.call-start
scs
__scs_entry_jumppad:
0x0: {  	(pc) =	sbr.rel $0x88, $3  }
0x1: {  	(tag) =	ssettag $0x0;
	lr =	simm.s32 $0x1  }
0x2: {  	[smem:$0x3F9B] =	sst lr;
	_ =	strace $0xD0000000  }
0x3: {  	_ = 	snop  }
0x4: {  	_ = 	snop  }
0x5: {  	_ = 	snop  }
0x6: {  	_ = 	snop  }
0x7: {  	_ = 	snop  }
__scs_overlays_trampoline_lowered:
0x8: {  	[smem:$0x3FAA] =	sst s0  }
0x9: {  	[smem:$0x3FAB] =	sst s1  }
0xa: {  	[smem:$0x3FAC] =	sst s2  }
0xb: {  	[smem:$0x3FAD] =	sst s3  }
0xc: {  	[smem:$0x3FAE] =	sst s4  }
0xd: {  	[smem:$0x3FAF] =	sst s5  }
0xe: {  	[smem:$0x3FB0] =	sst s6  }
0xf: {  	[smem:$0x3FB1] =	sst s7  }
0x10: {  	[smem:$0x3FB2] =	sst s8  }
0x11: {  	[smem:$0x3FB3] =	sst s9;
	s0 =	simm.s32 @!p0 $0x0  }
0x12: {  	s1 =	sld [smem:$0x3F99];
	s0 =	simm.s32 @p0 $0x1  }
0x13: {  	[smem:$0x3FB4] =	sst s0;
	s0 =	simm.s32 @!p1 $0x0  }
0x14: {  	s2 =	sld [smem:$0x3F98];
	s0 =	simm.s32 @p1 $0x1  }
0x15: {  	[smem:$0x3FB5] =	sst s0;
	s0 =	simm.s32 @!p2 $0x0  }
0x16: {  	s3 =	sld [smem:$0x3FDB];
	s0 =	simm.s32 @p2 $0x1  }
0x17: {  	s4 =	simm.s32 $0x1BF5;
	[smem:$0x3FB7] =	sst s0  }
0x18: {  	s0 =	sld [smem:$0x3F9A];
	_ =	swait.ge [sflag:s4], $0x0  }
0x19: {  	s7 =	sld [smem:$0x3F9B]  }
0x1a: {  	s8 =	sadd.s32 $0xFFFFE003, lr  }
0x1b: {  	s9 =	sadd.s32 $0xFFFFFEF7, lr;
	s5 =	simm.s32 $0xFFFFFFFF;
	p2 =	slt.u32 s8, $0xFFFFF086  }
0x1c: {  	p1 =	slt.u32 s9, $0xF7A;
	s5 =	simm.s32 @!p2 $0x0  }
0x1d: {  	s5 =	simm.s32 @p1 $0x1;
	p0 =	seq.s32 s7, s2  }
0x1e: {  	s7 =	smul.u32 @!p0 $0xF7A, s2;
	p2 =	seq.s32 @!p0 s5, $0x0  }
0x1f: {  	s9 =	smul.u32 $0xF7A, s1;
	s8 =	simm.s32 @!p0 $0x1BF5;
	p2 =	por !p2, p0  }
0x20: {  	[sflag:s8] =	ssyncset.s32 @!p0 $0xFFFFF086;
	s6 =	sadd.s32 @!p0 s3, s7;
	s7 =	simm.s32 @!p0 $0x108  }
0x21: {  	s3 =	sadd.s32 s3, s9;
	s6 =	sadd.s32 @!p0 $0x88, s6;
	s7 =	simm.s32 @p2 $0x1082  }
0x22: {  	[simem:s7], [sflag:s8] =	dma.local @!p0 [hbm:s6], $0xF7A  }
0x23: {  	s9 =	sor.u32 $0xD0000000, s2;
	s6 =	simm.s32 $0x108;
	_ =	swait.ge @!p0 [sflag:s8], $0x0  }
0x24: {  	s3 =	sadd.s32 $0x88, s3;
	s6 =	simm.s32 @!p1 $0x1082;
	[sflag:s4] =	ssyncset.s32 $0xFFFFF086  }
0x25: {  	[simem:s6], [sflag:s4] =	dma.local [hbm:s3], $0xF7A  }
0x26: {  	[smem:$0x3F9B] =	sst s1;
	(tag) =	ssettag s2;
	_ =	strace s9  }
0x27: {  	s1 =	sld [smem:$0x3FAB]  }
0x28: {  	s2 =	sld [smem:$0x3FAC]  }
0x29: {  	s4 =	sld [smem:$0x3FAE]  }
0x2a: {  	p0 =	seq.s32 s5, $0x0;
	s5 =	sld [smem:$0x3FAF]  }
0x2b: {  	s6 =	sld [smem:$0x3FB0]  }
0x2c: {  	s7 =	sld [smem:$0x3FB1]  }
0x2d: {  	s3 =	simm.s32 $0x108;
	s8 =	sld [smem:$0x3FB2]  }
0x2e: {  	s3 =	simm.s32 @!p0 $0x1082;
	s9 =	sld [smem:$0x3FB3]  }
0x2f: {  	lr =	sadd.s32 s0, s3;
	s0 =	sld [smem:$0x3FAA]  }
0x30: {  	s3 =	sld [smem:$0x3FAD]  }
0x31: {  	[smem:$0x3FB6] =	sst s10  }
0x32: {  	s10 =	sld [smem:$0x3FB4];
	_ =	sdelay $0x3  }
0x33: {  	p0 =	seq.s32 s10, $0x1;
	s10 =	sld [smem:$0x3FB6];
	_ =	sdelay $0x3  }
0x34: {  	[smem:$0x3FB6] =	sst s10  }
0x35: {  	s10 =	sld [smem:$0x3FB5];
	_ =	sdelay $0x3  }
0x36: {  	p1 =	seq.s32 s10, $0x1;
	s10 =	sld [smem:$0x3FB6];
	_ =	sdelay $0x3  }
0x37: {  	[smem:$0x3FB6] =	sst s10  }
0x38: {  	s10 =	sld [smem:$0x3FB7]  }
0x39: {  	_ = 	snop;
	(pc) =	sbr.ind lr, $3  }
0x3a: {  	_ = 	snop  }
0x3b: {  	_ = 	snop  }
0x3c: {  	p2 =	seq.s32 s10, $0x1;
	s10 =	sld [smem:$0x3FB6]  }
0x3d: {  	_ =	shalt  }
0x3e: {  	_ =	shalt  }
0x3f: {  	_ =	shalt  }
0x40: {  	_ =	shalt  }
0x41: {  	_ =	shalt  }
0x42: {  	_ =	shalt  }
0x43: {  	_ =	shalt  }
0x44: {  	_ =	shalt  }
0x45: {  	_ =	shalt  }
0x46: {  	_ =	shalt  }
0x47: {  	_ =	shalt  }
0x48: {  	_ =	shalt  }
0x49: {  	_ =	shalt  }
0x4a: {  	_ =	shalt  }
0x4b: {  	_ =	shalt  }
0x4c: {  	_ =	shalt  }
0x4d: {  	_ =	shalt  }
0x4e: {  	_ =	shalt  }
0x4f: {  	_ =	shalt  }
0x50: {  	_ =	shalt  }
0x51: {  	_ =	shalt  }
0x52: {  	_ =	shalt  }
0x53: {  	_ =	shalt  }
0x54: {  	_ =	shalt  }
0x55: {  	_ =	shalt  }
0x56: {  	_ =	shalt  }
0x57: {  	_ =	shalt  }
0x58: {  	_ =	shalt  }
0x59: {  	_ =	shalt  }
0x5a: {  	_ =	shalt  }
0x5b: {  	_ =	shalt  }
0x5c: {  	_ =	shalt  }
0x5d: {  	_ =	shalt  }
0x5e: {  	_ =	shalt  }
0x5f: {  	_ =	shalt  }
0x60: {  	_ =	shalt  }
0x61: {  	_ =	shalt  }
0x62: {  	_ =	shalt  }
0x63: {  	_ =	shalt  }
0x64: {  	_ =	shalt  }
0x65: {  	_ =	shalt  }
0x66: {  	_ =	shalt  }
0x67: {  	_ =	shalt  }
0x68: {  	_ =	shalt  }
0x69: {  	_ =	shalt  }
0x6a: {  	_ =	shalt  }
0x6b: {  	_ =	shalt  }
0x6c: {  	_ =	shalt  }
0x6d: {  	_ =	shalt  }
0x6e: {  	_ =	shalt  }
0x6f: {  	_ =	shalt  }
0x70: {  	_ =	shalt  }
0x71: {  	_ =	shalt  }
0x72: {  	_ =	shalt  }
0x73: {  	_ =	shalt  }
0x74: {  	_ =	shalt  }
0x75: {  	_ =	shalt  }
0x76: {  	_ =	shalt  }
0x77: {  	_ =	shalt  }
0x78: {  	_ =	shalt  }
0x79: {  	_ =	shalt  }
0x7a: {  	_ =	shalt  }
0x7b: {  	_ =	shalt  }
0x7c: {  	_ =	shalt  }
0x7d: {  	_ =	shalt  }
0x7e: {  	_ =	shalt  }
0x7f: {  	_ =	shalt  }
0x80: {  	_ =	shalt  }
0x81: {  	_ =	shalt  }
0x82: {  	_ =	shalt  }
0x83: {  	_ =	shalt  }
0x84: {  	_ =	shalt  }
0x85: {  	_ =	shalt  }
0x86: {  	_ =	shalt  }
0x87: {  	_ =	shalt  }
.Lfunc_end0:
.L_simem_size_0:
called_computation.1_lowered:
.L_overlay_start_0:
0x88: {  	s2 =	sld [smem:$0x3FD9]  }
0x89: {  	s3 =	sld [smem:$0x3FFE];
	_ =	sdelay $0x1  }
0x8a: {  	s1 =	srdreg.scid  }
0x8b: {  	s0 =	sand.u32 $0x1, s1  }
0x8c: {  	s17 =	sshll.u32 s0, $0xA;
	s2 =	sadd.s32 s3, s2  }
0x8d: {  	s2 =	sadd.s32 s2, s17  }
0x8e: {  	[smem:$0x3FC2] =	sst s2  }
0x8f: {  	_ = 	snop  }
0x90: {  	s2 =	sld [smem:$0x3FD0];
	(tm) =	ssettm $0x1  }
0x91: {  	s18 =	sld [smem:$0x3FFB];
	_ =	sdelay $0x3  }
0x92: {  	_ =	strace s18  }
0x93: {  	s3 =	sld [smem:$0x3FFC];
	_ =	sdelay $0x3  }
0x94: {  	_ =	strace s3  }
0x95: {  	s3 =	sld [smem:$0x3FFD];
	_ =	sdelay $0x3  }
0x96: {  	_ =	strace s3  }
0x97: {  	_ =	strace $0x8FFFFFFF  }
0x98: {  	s19 =	sld [smem:$0x3FDB];
	_ =	sdelay $0x1  }
0x99: {  	s4 =	simm.s32 $_scs_section_size  }
0x9a: {  	s5 =	simm.s32 $_size__tile_overlayer_lowered;
	s6 =	simm.s32 $_tile_overlayer_lowered  }
0x9b: {  	s22 =	simm.s32 $0x1BFF;
	s21 =	sshll.u32 s6, $0x1;
	s3 =	sadd.s32 s4, s19  }
0x9c: {  	s7 =	simm.s32 $0x0;
	s20 =	sshll.u32 s5, $0x1;
	s5 =	sadd.s32 s21, s3  }
0x9d: {  	[timem:s7], [sflag:s22] =	dma.local [hbm:s5], s20  }
0x9e: {  	_ =	swait.ge [sflag:s22], s20  }
0x9f: {  	s4 =	ssub.s32 $0x0, s20;
	[sflag:s22] =	ssyncset.done $0x0  }
0xa0: {  	[sflag:s22] =	ssyncadd.s32 s4;
	_ =	sdelay $0x1  }
0xa1: {  	s23 =	simm.s32 $0x1B8B  }
0xa2: {  	_ =	swait.ge [sflag:s23], $0x1  }
0xa3: {  	[sflag:s23] =	ssyncset.done $0x0  }
0xa4: {  	s25 =	simm.s32 $0x1B8E;
	s24 =	sld [smem:$0x3FFE];
	[sflag:s23] =	ssyncadd.s32 $0xFFFFFFFF  }
0xa5: {  	s26 =	simm.s32 $execute0_lowered;
	[smem:$0x3FD2] =	sst s25  }
0xa6: {  	s5 =	sshll.u32 s26, $0x1;
	_ =	strace $0x80000049;
	[dreg:$0x1] =	wrdreg $0xFFFFFFFF  }
0xa7: {  	s28 =	simm.s32 $_size_execute0_lowered;
	s3 =	sadd.s32 s3, s5;
	[dreg:$0x0] =	wrdreg $0x0  }
0xa8: {  	s5 =	sshll.u32 s28, $0x1;
	[dreg:$0x2] =	wrdreg s3  }
0xa9: {  	[dreg:$0x3] =	wrdreg s5  }
0xaa: {  	[dreg:$0x4] =	wrdreg $0xC0  }
0xab: {  	_ =	task [dreg:s7], $0x5FFFF  }
0xac: {  	[dreg:$0x1] =	wrdreg $0xFFFFFFFF  }
0xad: {  	[dreg:$0x0] =	wrdreg $0x60  }
0xae: {  	[dreg:$0x2] =	wrdreg s2  }
0xaf: {  	[dreg:$0x3] =	wrdreg s24  }
0xb0: {  	[dreg:$0x4] =	wrdreg $0x7FA00  }
0xb1: {  	[dreg:$0x5] =	wrdreg $0xA7200  }
0xb2: {  	[dreg:$0x6] =	wrdreg $0x9  }
0xb3: {  	_ =	task.clear_ibuf [dreg:s7], $0x7FFFF;
	_ =	strace $0x90000049  }
0xb4: {  	s29 =	simm.s32 $0x9;
	_ =	strace $0x8000004B  }
0xb5: {  	_ =	swait.ge [sflag:s29], $0x1  }
0xb6: {  	[sflag:s29] =	ssyncadd.s32 $0xFFFFFFFF  }
0xb7: {  	_ =	strace $0x9000004B  }
0xb8: {  	_ =	sfence  }
0xb9: {  	s30 =	sld [smem:$0x0];
	_ =	sdelay $0x2  }
0xba: {  	s31 =	sshll.u32 s1, $0xD;
	s1 =	sshrl.u32 s1, $0x2  }
0xbb: {  	s3 =	sand.u32 $0x4000, s31;
	s1 =	sadd.s32 s1, s30  }
0xbc: {  	s0 =	sor.u32 s3, s0;
	s1 =	sshll.u32 s1, $0x11  }
0xbd: {  	s0 =	sor.u32 s1, s0  }
0xbe: {  	s0 =	sadd.s32 $0x8F2B, s0  }
0xbf: {  	[sflag:s0] =	ssyncadd.remote.s32 $0x1  }
0xc0: {  	_ =	sfence.sel $0xFFFF  }
0xc1: {  	[dreg:$0x0] =	wrdreg $0xFFFFFFFF;
	(pc) =	sbr.abs _section_cstart, $3  }
0xc2: {  	[dreg:$0x1] =	wrdreg $0xFFFFFFFF  }
0xc3: {  	_ =	task.clear_ibuf [dreg:s7], $0x2FFFF;
	_ =	strace $0x9FFFFFFF  }
0xc4: {  	(tm) =	ssettm $0x7FFFFFFF  }
0xc5: {  	_ =	shalt  }
tec
execute0_lowered:
.L_overlay_start_1:
0x0: {  	(tag) =	ssettag $0x1  }
0x1: {  	s5 =	rddreg [dreg:$0x0]  }
0x2: {  	s6 =	rddreg [dreg:$0x1]  }
0x3: {  	s2 =	rddreg [dreg:$0x2];
	s1 =	srdreg.scid  }
0x4: {  	s0 =	stileid.u32;
	s3 =	rddreg [dreg:$0x3]  }
0x5: {  	s4 =	simm.s32 $0x0;
	s16 =	simm.s32 $0x50;
	s17 =	simm.s32 $0x4E20  }
0x6: {  	s18 =	simm.s32 $0x1;
	s19 =	simm.s32 $0x5320;
	s20 =	simm.s32 $0x3  }
0x7: {  	s21 =	simm.s32 $0x2;
	s22 =	simm.s32 $0x4;
	s23 =	simm.s32 $0x26C0  }
0x8: {  	s24 =	simm.s32 $0x4D80;
	s25 =	simm.s32 $0x4DD0;
	s26 =	simm.s32 $0x0  }
0x9: {  	s7 =	sand.u32 $0x1, s1;
	s8 =	smul.u32 $0x2780, s0;
	s1 =	rddreg [dreg:$0x4]  }
0xa: {  	[smem:$0x7FF] =	sst s4;
	s10 =	sadd.s32 $0x2C00, s6;
	s14 =	sshll.u32 s0, $0x6  }
0xb: {  	s9 =	smul.u32 $0x27800, s7;
	s11 =	ssub.s32 $0x2, s7;
	s7 =	sshll.u32 s7, $0x4  }
0xc: {  	_ =	strace $0x8000004A;
	s29 =	sshrl.u32 s11, $0x1;
	s7 =	sor.u32 s0, s7  }
0xd: {  	s13 =	sadd.s32 s8, s2;
	s31 =	sshrl.u32 s8, $0x3;
	s30 =	smul.u32 $0x2710, s7  }
0xe: {  	s9 =	sadd.s32 s8, s9;
	s11 =	ssub.s32 s11, s29;
	s15 =	smul.u32 $0x4E2, s7  }
0xf: {  	s5 =	sadd.s32 s5, s31;
	s7 =	sadd.s32 s8, s3;
	s9 =	sshrl.u32 s9, $0x3  }
0x10: {  	s11 =	smax.u32 s11, $0x1;
	s12 =	sadd.s32 s9, s6;
	s6 =	sor.u32 $0x1C05, s14  }
0x11: {  	s9 =	sshrl.u32 s30, $0x3;
	s8 =	sadd.s32 s10, s15;
	s14 =	simm.s32 $0x5820  }
0x12: {  	s15 =	simm.s32 $0x2710;
	s9 =	sadd.s32 s10, s9;
	s10 =	sadd.s32 $0x16600, s12  }
0x13: {  	v0 =	vimm.f32 $0.0e+00;
	s12 =	sshrl.u32 s13, $0x3;
	s13 =	simm.s32 $0x5;
	s9 =	sadd.s32 $0x9C40, s9  }
.LBB2_1:
0x14: {  	[spmem:s12], [sflag:s6] =	dma.local [hbm:s5], $0x4F0  }
0x15: {  	_ =	swait.ge [sflag:s13], $0x4F0  }
0x16: {  	[sflag:s13] =	ssyncset.done $0x0  }
0x17: {  	s28 =	simm.s32 $0x40;
	s29 =	simm.s32 $0x0;
	[sflag:s13] =	ssyncadd.s32 $0xFFFFFB10  }
.LBB2_2:
0x18: {  	p0 =	sne.s32 s28, $0x9DC0;
	[tilespmem:s29+$0x5820] =	vst v0;
	s29 =	smov.u32 s28;
	s28 =	sadd.s32 $0x40, s28  }
.Ltmp0:
0x19: {  	(pc) =	sbr.rel @p0 .LBB2_2-.Ltmp0, $2  }
0x1a: {  	_ =	sdelay $0x2  }
0x1b: {  	s29 =	sshra.s32 s29, $0x2  }
0x1c: {  	[tilespmem:s29+$0x5820] =	vst v0  }
0x1d: {  	[spmem:s7] =	stream.linear.scatter [tilespmem:s14], [sflag:$0x5], $0x2780, $0x38;
	[tilespmem:$0xCEA0] =	vst v63  }
0x1e: {  	_ =	swait.ge [sflag:s13], $0x2780  }
0x1f: {  	[sflag:s13] =	ssyncset.done $0x0  }
0x20: {  	[sflag:s13] =	ssyncadd.s32 $0xFFFFD880  }
0x21: {  	[tilespmem:s4], [sflag:$0x5] =	stream.linear.gather [hbm4b:s8+s4], $0x2710, $0x38;
	[tilespmem:$0xCEA0] =	vst v63  }
0x22: {  	_ =	swait.ge [sflag:s13], $0x2710  }
0x23: {  	[sflag:s13] =	ssyncset.done $0x0  }
0x24: {  	[sflag:s13] =	ssyncadd.s32 $0xFFFFD8F0  }
0x25: {  	[tilespmem:s15], [sflag:$0x5] =	stream.linear.gather [hbm4b:s9+s4], $0x2710, $0x38;
	[tilespmem:$0xCEA0] =	vst v63  }
0x26: {  	_ =	swait.ge [sflag:s13], $0x2710  }
0x27: {  	[sflag:s13] =	ssyncset.done $0x0  }
0x28: {  	[sflag:s13] =	ssyncadd.s32 $0xFFFFD8F0  }
0x29: {  	[bflag:$0x0] =	sbarrier.arrive $0xFFFF  }
0x2a: {  	[tilespmem:s17], [sflag:$0x1] =	stream.indirect.gather [spmem:s2], $0x10, s4, s16, $0xb8;
	[tilespmem:$0xCEA0] =	vst v63  }
0x2b: {  	_ =	swait.ge [sflag:s18], $0x500  }
0x2c: {  	[sflag:s18] =	ssyncset.done $0x0  }
0x2d: {  	[sflag:s18] =	ssyncadd.s32 $0xFFFFFB00  }
0x2e: {  	[spmem:s3] =	stream.indirect.scatter.add.f32 [tilespmem:s17], [sflag:$0x3], $0x10, s15, s16, $0xb8;
	[tilespmem:$0xCEA0] =	vst v63  }
0x2f: {  	_ = 	snop  }
0x30: {  	[tilespmem:s19], [sflag:$0x2] =	stream.indirect.gather [spmem:s2], $0x10, s16, s16, $0xb8;
	[tilespmem:$0xCEA0] =	vst v63  }
0x31: {  	_ =	swait.ge [sflag:s20], $0x500  }
0x32: {  	[sflag:s20] =	ssyncset.done $0x0  }
0x33: {  	s28 =	simm.s32 $0xA0;
	[sflag:s20] =	ssyncadd.s32 $0xFFFFFB00  }
0x34: {  	[tilespmem:s17], [sflag:$0x1] =	stream.indirect.gather [spmem:s2], $0x10, s28, s16, $0xb8;
	[tilespmem:$0xCEA0] =	vst v63  }
0x35: {  	_ =	swait.ge [sflag:s21], $0x500  }
0x36: {  	[sflag:s21] =	ssyncset.done $0x0  }
0x37: {  	s28 =	simm.s32 $0x2760;
	[sflag:s21] =	ssyncadd.s32 $0xFFFFFB00  }
0x38: {  	[spmem:s3] =	stream.indirect.scatter.add.f32 [tilespmem:s19], [sflag:$0x4], $0x10, s28, s16, $0xb8;
	[tilespmem:$0xCEA0] =	vst v63  }
0x39: {  	_ =	swait.ge [sflag:s22], $0x500  }
0x3a: {  	[sflag:s22] =	ssyncset.done $0x0  }
0x3b: {  	s28 =	simm.s32 $0xF0;
	[sflag:s22] =	ssyncadd.s32 $0xFFFFFB00  }
0x3c: {  	[tilespmem:s19], [sflag:$0x2] =	stream.indirect.gather [spmem:s2], $0x10, s28, s16, $0xb8;
	[tilespmem:$0xCEA0] =	vst v63  }
0x3d: {  	_ =	swait.ge [sflag:s18], $0x500  }
0x3e: {  	[sflag:s18] =	ssyncset.done $0x0  }
0x3f: {  	s29 =	simm.s32 $0x27B0;
	s28 =	simm.s32 $0xFFFF6A00;
	[sflag:s18] =	ssyncadd.s32 $0xFFFFFB00  }
.LBB2_4:
0x40: {  	[spmem:s3] =	stream.indirect.scatter.add.f32 [tilespmem:s17], [sflag:$0x3], $0x10, s29, s16, $0xb8;
	[tilespmem:$0xCEA0] =	vst v63  }
0x41: {  	s29 =	smov.u32 s28  }
0x42: {  	p0 =	sne.s32 s28, $0xFFFFFD80;
	s28 =	sadd.s32 $0x280, s28;
	_ =	swait.ge [sflag:s20], $0x500  }
0x43: {  	s29 =	sshra.s32 s29, $0x2;
	[sflag:s20] =	ssyncset.done $0x0  }
0x44: {  	s30 =	sadd.s32 $0x26C0, s29;
	[sflag:s20] =	ssyncadd.s32 $0xFFFFFB00  }
0x45: {  	[tilespmem:s17], [sflag:$0x1] =	stream.indirect.gather [spmem:s2], $0x10, s30, s16, $0xb8;
	[tilespmem:$0xCEA0] =	vst v63  }
0x46: {  	_ =	swait.ge [sflag:s21], $0x500  }
0x47: {  	[sflag:s21] =	ssyncset.done $0x0  }
0x48: {  	s30 =	sadd.s32 $0x4D80, s29;
	[sflag:s21] =	ssyncadd.s32 $0xFFFFFB00  }
0x49: {  	[spmem:s3] =	stream.indirect.scatter.add.f32 [tilespmem:s19], [sflag:$0x4], $0x10, s30, s16, $0xb8;
	[tilespmem:$0xCEA0] =	vst v63  }
0x4a: {  	_ =	swait.ge [sflag:s22], $0x500  }
0x4b: {  	[sflag:s22] =	ssyncset.done $0x0  }
.Ltmp1:
0x4c: {  	s30 =	sadd.s32 $0x2710, s29;
	[sflag:s22] =	ssyncadd.s32 $0xFFFFFB00;
	(pc) =	sbr.rel @p0 .LBB2_4-.Ltmp1, $4  }
0x4d: {  	[tilespmem:s19], [sflag:$0x2] =	stream.indirect.gather [spmem:s2], $0x10, s30, s16, $0xb8;
	[tilespmem:$0xCEA0] =	vst v63  }
0x4e: {  	_ =	swait.ge [sflag:s18], $0x500  }
0x4f: {  	[sflag:s18] =	ssyncset.done $0x0  }
0x50: {  	s29 =	sadd.s32 $0x4DD0, s29;
	[sflag:s18] =	ssyncadd.s32 $0xFFFFFB00  }
0x51: {  	[spmem:s3] =	stream.indirect.scatter.add.f32 [tilespmem:s17], [sflag:$0x3], $0x10, s29, s16, $0xb8;
	[tilespmem:$0xCEA0] =	vst v63  }
0x52: {  	_ =	swait.ge [sflag:s20], $0x500  }
0x53: {  	[sflag:s20] =	ssyncset.done $0x0  }
0x54: {  	[sflag:s20] =	ssyncadd.s32 $0xFFFFFB00  }
0x55: {  	[tilespmem:s17], [sflag:$0x1] =	stream.indirect.gather [spmem:s2], $0x10, s23, s16, $0xb8;
	[tilespmem:$0xCEA0] =	vst v63  }
0x56: {  	_ =	swait.ge [sflag:s21], $0x500  }
0x57: {  	[sflag:s21] =	ssyncset.done $0x0  }
0x58: {  	[sflag:s21] =	ssyncadd.s32 $0xFFFFFB00  }
0x59: {  	[spmem:s3] =	stream.indirect.scatter.add.f32 [tilespmem:s19], [sflag:$0x4], $0x10, s24, s16, $0xb8;
	[tilespmem:$0xCEA0] =	vst v63  }
0x5a: {  	_ =	swait.ge [sflag:s18], $0x500  }
0x5b: {  	[sflag:s18] =	ssyncset.done $0x0  }
0x5c: {  	[sflag:s18] =	ssyncadd.s32 $0xFFFFFB00  }
0x5d: {  	[spmem:s3] =	stream.indirect.scatter.add.f32 [tilespmem:s17], [sflag:$0x3], $0x10, s25, s16, $0xb8;
	[tilespmem:$0xCEA0] =	vst v63  }
0x5e: {  	_ =	swait.ge [sflag:s22], $0x500  }
0x5f: {  	[sflag:s22] =	ssyncset.done $0x0  }
0x60: {  	[sflag:s22] =	ssyncadd.s32 $0xFFFFFB00  }
0x61: {  	_ =	swait.ge [sflag:s20], $0x500  }
0x62: {  	s26 =	sadd.s32 $0x1, s26;
	[sflag:s20] =	ssyncset.done $0x0  }
0x63: {  	p0 =	sne.s32 s26, s11;
	[sflag:s20] =	ssyncadd.s32 $0xFFFFFB00  }
.Ltmp2:
0x64: {  	s28 =	sshrl.u32 s7, $0x3;
	[bflag:$0x0] =	sbarrier.arrive $0xFFFF;
	(pc) =	sbr.rel @p0 .LBB2_1-.Ltmp2, $4  }
0x65: {  	[hbm:s10], [sflag:s6] =	dma.local [spmem:s28], $0x4F0  }
0x66: {  	_ =	swait.ge [sflag:s13], $0x4F0  }
0x67: {  	[sflag:s13] =	ssyncset.done $0x0  }
0x68: {  	[sflag:s13] =	ssyncadd.s32 $0xFFFFFB10  }
0x69: {  	_ =	sfence.sel $0x180000  }
0x6a: {  	[bflag:$0x0] =	sbarrier.arrive $0xFFFF  }
0x6b: {  	p0 =	sne.s32 s0, $0x0;
	_ =	strace $0x9000004A  }
0x6c: {  	s0 =	sadd.s32 @!p0 $0x100000, s1;
	[bflag:$0x2] =	sbarrier.arrive $0xFFFF  }
0x6d: {  	[sflag:s0] =	ssyncadd.tile.s32 @!p0 $0x1;
	_ =	shalt  }
.Lfunc_end2:
_tile_overlayer_lowered:
.L_overlay_start_2:
0x6e: {  	(tag) =	ssettag $0x2  }
0x6f: {  	s0 =	rddreg [dreg:$0x0];
	s2 =	stileid.u32  }
0x70: {  	s1 =	rddreg [dreg:$0x1];
	p0 =	sne.s32 s2, $0x0  }
0x71: {  	s3 =	rddreg [dreg:$0x2];
	[bflag:$0x3] =	sbarrier.arrive $0xFFFF;
	s2 =	simm.s32 @!p0 $0x1C05  }
0x72: {  	[timem:s3], [sflag:s2] =	dma.local @!p0 [hbm:s0], s1  }
0x73: {  	s0 =	simm.s32 @!p0 $0x5  }
0x74: {  	_ =	swait.ge @!p0 [sflag:s0], s1  }
0x75: {  	s1 =	ssub.s32 @!p0 $0x0, s1;
	[sflag:s0] =	ssyncset.done @!p0 $0x0  }
0x76: {  	[sflag:s0] =	ssyncadd.s32 @!p0 s1  }
0x77: {  	[bflag:$0x3] =	sbarrier.arrive $0xFFFF  }
0x78: {  	_ =	shalt  }

// kernel: kernel.14.cloned.1.call-start
scs
__scs_entry_jumppad:
0x0: {  	(pc) =	sbr.rel $0x88, $3  }
0x1: {  	(tag) =	ssettag $0x0;
	lr =	simm.s32 $0x1  }
0x2: {  	[smem:$0x3F9B] =	sst lr;
	_ =	strace $0xD0000000  }
0x3: {  	_ = 	snop  }
0x4: {  	_ = 	snop  }
0x5: {  	_ = 	snop  }
0x6: {  	_ = 	snop  }
0x7: {  	_ = 	snop  }
__scs_overlays_trampoline_lowered:
0x8: {  	[smem:$0x3FAA] =	sst s0  }
0x9: {  	[smem:$0x3FAB] =	sst s1  }
0xa: {  	[smem:$0x3FAC] =	sst s2  }
0xb: {  	[smem:$0x3FAD] =	sst s3  }
0xc: {  	[smem:$0x3FAE] =	sst s4  }
0xd: {  	[smem:$0x3FAF] =	sst s5  }
0xe: {  	[smem:$0x3FB0] =	sst s6  }
0xf: {  	[smem:$0x3FB1] =	sst s7  }
0x10: {  	[smem:$0x3FB2] =	sst s8  }
0x11: {  	[smem:$0x3FB3] =	sst s9;
	s0 =	simm.s32 @!p0 $0x0  }
0x12: {  	s1 =	sld [smem:$0x3F99];
	s0 =	simm.s32 @p0 $0x1  }
0x13: {  	[smem:$0x3FB4] =	sst s0;
	s0 =	simm.s32 @!p1 $0x0  }
0x14: {  	s2 =	sld [smem:$0x3F98];
	s0 =	simm.s32 @p1 $0x1  }
0x15: {  	[smem:$0x3FB5] =	sst s0;
	s0 =	simm.s32 @!p2 $0x0  }
0x16: {  	s3 =	sld [smem:$0x3FDB];
	s0 =	simm.s32 @p2 $0x1  }
0x17: {  	s4 =	simm.s32 $0x1BF5;
	[smem:$0x3FB7] =	sst s0  }
0x18: {  	s0 =	sld [smem:$0x3F9A];
	_ =	swait.ge [sflag:s4], $0x0  }
0x19: {  	s7 =	sld [smem:$0x3F9B]  }
0x1a: {  	s8 =	sadd.s32 $0xFFFFE003, lr  }
0x1b: {  	s9 =	sadd.s32 $0xFFFFFEF7, lr;
	s5 =	simm.s32 $0xFFFFFFFF;
	p2 =	slt.u32 s8, $0xFFFFF086  }
0x1c: {  	p1 =	slt.u32 s9, $0xF7A;
	s5 =	simm.s32 @!p2 $0x0  }
0x1d: {  	s5 =	simm.s32 @p1 $0x1;
	p0 =	seq.s32 s7, s2  }
0x1e: {  	s7 =	smul.u32 @!p0 $0xF7A, s2;
	p2 =	seq.s32 @!p0 s5, $0x0  }
0x1f: {  	s9 =	smul.u32 $0xF7A, s1;
	s8 =	simm.s32 @!p0 $0x1BF5;
	p2 =	por !p2, p0  }
0x20: {  	[sflag:s8] =	ssyncset.s32 @!p0 $0xFFFFF086;
	s6 =	sadd.s32 @!p0 s3, s7;
	s7 =	simm.s32 @!p0 $0x108  }
0x21: {  	s3 =	sadd.s32 s3, s9;
	s6 =	sadd.s32 @!p0 $0x88, s6;
	s7 =	simm.s32 @p2 $0x1082  }
0x22: {  	[simem:s7], [sflag:s8] =	dma.local @!p0 [hbm:s6], $0xF7A  }
0x23: {  	s9 =	sor.u32 $0xD0000000, s2;
	s6 =	simm.s32 $0x108;
	_ =	swait.ge @!p0 [sflag:s8], $0x0  }
0x24: {  	s3 =	sadd.s32 $0x88, s3;
	s6 =	simm.s32 @!p1 $0x1082;
	[sflag:s4] =	ssyncset.s32 $0xFFFFF086  }
0x25: {  	[simem:s6], [sflag:s4] =	dma.local [hbm:s3], $0xF7A  }
0x26: {  	[smem:$0x3F9B] =	sst s1;
	(tag) =	ssettag s2;
	_ =	strace s9  }
0x27: {  	s1 =	sld [smem:$0x3FAB]  }
0x28: {  	s2 =	sld [smem:$0x3FAC]  }
0x29: {  	s4 =	sld [smem:$0x3FAE]  }
0x2a: {  	p0 =	seq.s32 s5, $0x0;
	s5 =	sld [smem:$0x3FAF]  }
0x2b: {  	s6 =	sld [smem:$0x3FB0]  }
0x2c: {  	s7 =	sld [smem:$0x3FB1]  }
0x2d: {  	s3 =	simm.s32 $0x108;
	s8 =	sld [smem:$0x3FB2]  }
0x2e: {  	s3 =	simm.s32 @!p0 $0x1082;
	s9 =	sld [smem:$0x3FB3]  }
0x2f: {  	lr =	sadd.s32 s0, s3;
	s0 =	sld [smem:$0x3FAA]  }
0x30: {  	s3 =	sld [smem:$0x3FAD]  }
0x31: {  	[smem:$0x3FB6] =	sst s10  }
0x32: {  	s10 =	sld [smem:$0x3FB4];
	_ =	sdelay $0x3  }
0x33: {  	p0 =	seq.s32 s10, $0x1;
	s10 =	sld [smem:$0x3FB6];
	_ =	sdelay $0x3  }
0x34: {  	[smem:$0x3FB6] =	sst s10  }
0x35: {  	s10 =	sld [smem:$0x3FB5];
	_ =	sdelay $0x3  }
0x36: {  	p1 =	seq.s32 s10, $0x1;
	s10 =	sld [smem:$0x3FB6];
	_ =	sdelay $0x3  }
0x37: {  	[smem:$0x3FB6] =	sst s10  }
0x38: {  	s10 =	sld [smem:$0x3FB7]  }
0x39: {  	_ = 	snop;
	(pc) =	sbr.ind lr, $3  }
0x3a: {  	_ = 	snop  }
0x3b: {  	_ = 	snop  }
0x3c: {  	p2 =	seq.s32 s10, $0x1;
	s10 =	sld [smem:$0x3FB6]  }
0x3d: {  	_ =	shalt  }
0x3e: {  	_ =	shalt  }
0x3f: {  	_ =	shalt  }
0x40: {  	_ =	shalt  }
0x41: {  	_ =	shalt  }
0x42: {  	_ =	shalt  }
0x43: {  	_ =	shalt  }
0x44: {  	_ =	shalt  }
0x45: {  	_ =	shalt  }
0x46: {  	_ =	shalt  }
0x47: {  	_ =	shalt  }
0x48: {  	_ =	shalt  }
0x49: {  	_ =	shalt  }
0x4a: {  	_ =	shalt  }
0x4b: {  	_ =	shalt  }
0x4c: {  	_ =	shalt  }
0x4d: {  	_ =	shalt  }
0x4e: {  	_ =	shalt  }
0x4f: {  	_ =	shalt  }
0x50: {  	_ =	shalt  }
0x51: {  	_ =	shalt  }
0x52: {  	_ =	shalt  }
0x53: {  	_ =	shalt  }
0x54: {  	_ =	shalt  }
0x55: {  	_ =	shalt  }
0x56: {  	_ =	shalt  }
0x57: {  	_ =	shalt  }
0x58: {  	_ =	shalt  }
0x59: {  	_ =	shalt  }
0x5a: {  	_ =	shalt  }
0x5b: {  	_ =	shalt  }
0x5c: {  	_ =	shalt  }
0x5d: {  	_ =	shalt  }
0x5e: {  	_ =	shalt  }
0x5f: {  	_ =	shalt  }
0x60: {  	_ =	shalt  }
0x61: {  	_ =	shalt  }
0x62: {  	_ =	shalt  }
0x63: {  	_ =	shalt  }
0x64: {  	_ =	shalt  }
0x65: {  	_ =	shalt  }
0x66: {  	_ =	shalt  }
0x67: {  	_ =	shalt  }
0x68: {  	_ =	shalt  }
0x69: {  	_ =	shalt  }
0x6a: {  	_ =	shalt  }
0x6b: {  	_ =	shalt  }
0x6c: {  	_ =	shalt  }
0x6d: {  	_ =	shalt  }
0x6e: {  	_ =	shalt  }
0x6f: {  	_ =	shalt  }
0x70: {  	_ =	shalt  }
0x71: {  	_ =	shalt  }
0x72: {  	_ =	shalt  }
0x73: {  	_ =	shalt  }
0x74: {  	_ =	shalt  }
0x75: {  	_ =	shalt  }
0x76: {  	_ =	shalt  }
0x77: {  	_ =	shalt  }
0x78: {  	_ =	shalt  }
0x79: {  	_ =	shalt  }
0x7a: {  	_ =	shalt  }
0x7b: {  	_ =	shalt  }
0x7c: {  	_ =	shalt  }
0x7d: {  	_ =	shalt  }
0x7e: {  	_ =	shalt  }
0x7f: {  	_ =	shalt  }
0x80: {  	_ =	shalt  }
0x81: {  	_ =	shalt  }
0x82: {  	_ =	shalt  }
0x83: {  	_ =	shalt  }
0x84: {  	_ =	shalt  }
0x85: {  	_ =	shalt  }
0x86: {  	_ =	shalt  }
0x87: {  	_ =	shalt  }
.Lfunc_end0:
.L_simem_size_0:
called_computation.2_lowered:
.L_overlay_start_0:
0x88: {  	s2 =	sld [smem:$0x3FD9]  }
0x89: {  	s3 =	sld [smem:$0x3FFE];
	_ =	sdelay $0x1  }
0x8a: {  	s1 =	srdreg.scid  }
0x8b: {  	s0 =	sand.u32 $0x1, s1  }
0x8c: {  	s17 =	sshll.u32 s0, $0xA;
	s2 =	sadd.s32 s3, s2  }
0x8d: {  	s2 =	sadd.s32 s2, s17  }
0x8e: {  	[smem:$0x3FC2] =	sst s2  }
0x8f: {  	_ = 	snop  }
0x90: {  	s2 =	sld [smem:$0x3FD0];
	(tm) =	ssettm $0x1  }
0x91: {  	s18 =	sld [smem:$0x3FFB];
	_ =	sdelay $0x3  }
0x92: {  	_ =	strace s18  }
0x93: {  	s3 =	sld [smem:$0x3FFC];
	_ =	sdelay $0x3  }
0x94: {  	_ =	strace s3  }
0x95: {  	s3 =	sld [smem:$0x3FFD];
	_ =	sdelay $0x3  }
0x96: {  	_ =	strace s3  }
0x97: {  	_ =	strace $0x8FFFFFFF  }
0x98: {  	s19 =	sld [smem:$0x3FDB];
	_ =	sdelay $0x1  }
0x99: {  	s4 =	simm.s32 $_scs_section_size  }
0x9a: {  	s5 =	simm.s32 $_size__tile_overlayer_lowered;
	s6 =	simm.s32 $_tile_overlayer_lowered  }
0x9b: {  	s22 =	simm.s32 $0x1BFF;
	s21 =	sshll.u32 s6, $0x1;
	s3 =	sadd.s32 s4, s19  }
0x9c: {  	s7 =	simm.s32 $0x0;
	s20 =	sshll.u32 s5, $0x1;
	s5 =	sadd.s32 s21, s3  }
0x9d: {  	[timem:s7], [sflag:s22] =	dma.local [hbm:s5], s20  }
0x9e: {  	_ =	swait.ge [sflag:s22], s20  }
0x9f: {  	s4 =	ssub.s32 $0x0, s20;
	[sflag:s22] =	ssyncset.done $0x0  }
0xa0: {  	[sflag:s22] =	ssyncadd.s32 s4;
	_ =	sdelay $0x1  }
0xa1: {  	s23 =	simm.s32 $0x1B8B  }
0xa2: {  	_ =	swait.ge [sflag:s23], $0x1  }
0xa3: {  	[sflag:s23] =	ssyncset.done $0x0  }
0xa4: {  	s25 =	simm.s32 $0x1B8E;
	s24 =	sld [smem:$0x3FFE];
	[sflag:s23] =	ssyncadd.s32 $0xFFFFFFFF  }
0xa5: {  	s26 =	simm.s32 $execute0_lowered;
	[smem:$0x3FD2] =	sst s25  }
0xa6: {  	s5 =	sshll.u32 s26, $0x1;
	_ =	strace $0x8000004C;
	[dreg:$0x1] =	wrdreg $0xFFFFFFFF  }
0xa7: {  	s28 =	simm.s32 $_size_execute0_lowered;
	s3 =	sadd.s32 s3, s5;
	[dreg:$0x0] =	wrdreg $0x0  }
0xa8: {  	s5 =	sshll.u32 s28, $0x1;
	[dreg:$0x2] =	wrdreg s3  }
0xa9: {  	[dreg:$0x3] =	wrdreg s5  }
0xaa: {  	[dreg:$0x4] =	wrdreg $0xC0  }
0xab: {  	_ =	task [dreg:s7], $0x5FFFF  }
0xac: {  	[dreg:$0x1] =	wrdreg $0xFFFFFFFF  }
0xad: {  	[dreg:$0x0] =	wrdreg $0x60  }
0xae: {  	[dreg:$0x2] =	wrdreg s2  }
0xaf: {  	[dreg:$0x3] =	wrdreg s24  }
0xb0: {  	[dreg:$0x4] =	wrdreg $0x7FA00  }
0xb1: {  	[dreg:$0x5] =	wrdreg $0xA7200  }
0xb2: {  	[dreg:$0x6] =	wrdreg $0x9  }
0xb3: {  	_ =	task.clear_ibuf [dreg:s7], $0x7FFFF;
	_ =	strace $0x9000004C  }
0xb4: {  	s29 =	simm.s32 $0x9;
	_ =	strace $0x8000004E  }
0xb5: {  	_ =	swait.ge [sflag:s29], $0x1  }
0xb6: {  	[sflag:s29] =	ssyncadd.s32 $0xFFFFFFFF  }
0xb7: {  	_ =	strace $0x9000004E  }
0xb8: {  	_ =	sfence  }
0xb9: {  	s30 =	sld [smem:$0x0];
	_ =	sdelay $0x2  }
0xba: {  	s31 =	sshll.u32 s1, $0xD;
	s1 =	sshrl.u32 s1, $0x2  }
0xbb: {  	s3 =	sand.u32 $0x4000, s31;
	s1 =	sadd.s32 s1, s30  }
0xbc: {  	s0 =	sor.u32 s3, s0;
	s1 =	sshll.u32 s1, $0x11  }
0xbd: {  	s0 =	sor.u32 s1, s0  }
0xbe: {  	s0 =	sadd.s32 $0x8F2B, s0  }
0xbf: {  	[sflag:s0] =	ssyncadd.remote.s32 $0x1  }
0xc0: {  	_ =	sfence.sel $0xFFFF  }
0xc1: {  	[dreg:$0x0] =	wrdreg $0xFFFFFFFF;
	(pc) =	sbr.abs _section_cstart, $3  }
0xc2: {  	[dreg:$0x1] =	wrdreg $0xFFFFFFFF  }
0xc3: {  	_ =	task.clear_ibuf [dreg:s7], $0x2FFFF;
	_ =	strace $0x9FFFFFFF  }
0xc4: {  	(tm) =	ssettm $0x7FFFFFFF  }
0xc5: {  	_ =	shalt  }
tec
execute0_lowered:
.L_overlay_start_1:
0x0: {  	(tag) =	ssettag $0x1  }
0x1: {  	s5 =	rddreg [dreg:$0x0]  }
0x2: {  	s6 =	rddreg [dreg:$0x1]  }
0x3: {  	s2 =	rddreg [dreg:$0x2];
	s1 =	srdreg.scid  }
0x4: {  	s0 =	stileid.u32;
	s3 =	rddreg [dreg:$0x3]  }
0x5: {  	s4 =	simm.s32 $0x0;
	s16 =	simm.s32 $0x50;
	s17 =	simm.s32 $0x4E20  }
0x6: {  	s18 =	simm.s32 $0x1;
	s19 =	simm.s32 $0x5320;
	s20 =	simm.s32 $0x3  }
0x7: {  	s21 =	simm.s32 $0x2;
	s22 =	simm.s32 $0x4;
	s23 =	simm.s32 $0x26C0  }
0x8: {  	s24 =	simm.s32 $0x4D80;
	s25 =	simm.s32 $0x4DD0;
	s26 =	simm.s32 $0x0  }
0x9: {  	s7 =	sand.u32 $0x1, s1;
	s8 =	smul.u32 $0x2780, s0;
	s1 =	rddreg [dreg:$0x4]  }
0xa: {  	[smem:$0x7FF] =	sst s4;
	s10 =	sadd.s32 $0x2C00, s6;
	s14 =	sshll.u32 s0, $0x6  }
0xb: {  	s9 =	smul.u32 $0x27800, s7;
	s11 =	ssub.s32 $0x2, s7;
	s7 =	sshll.u32 s7, $0x4  }
0xc: {  	_ =	strace $0x8000004D;
	s29 =	sshrl.u32 s11, $0x1;
	s7 =	sor.u32 s0, s7  }
0xd: {  	s13 =	sadd.s32 s8, s2;
	s31 =	sshrl.u32 s8, $0x3;
	s30 =	smul.u32 $0x2710, s7  }
0xe: {  	s9 =	sadd.s32 s8, s9;
	s11 =	ssub.s32 s11, s29;
	s15 =	smul.u32 $0x4E2, s7  }
0xf: {  	s5 =	sadd.s32 s5, s31;
	s7 =	sadd.s32 s8, s3;
	s9 =	sshrl.u32 s9, $0x3  }
0x10: {  	s11 =	smax.u32 s11, $0x1;
	s12 =	sadd.s32 s9, s6;
	s6 =	sor.u32 $0x1C05, s14  }
0x11: {  	s9 =	sshrl.u32 s30, $0x3;
	s8 =	sadd.s32 s10, s15;
	s14 =	simm.s32 $0x5820  }
0x12: {  	s15 =	simm.s32 $0x2710;
	s9 =	sadd.s32 s10, s9;
	s10 =	sadd.s32 $0x16600, s12  }
0x13: {  	v0 =	vimm.f32 $0.0e+00;
	s12 =	sshrl.u32 s13, $0x3;
	s13 =	simm.s32 $0x5;
	s9 =	sadd.s32 $0x9C40, s9  }
.LBB2_1:
0x14: {  	[spmem:s12], [sflag:s6] =	dma.local [hbm:s5], $0x4F0  }
0x15: {  	_ =	swait.ge [sflag:s13], $0x4F0  }
0x16: {  	[sflag:s13] =	ssyncset.done $0x0  }
0x17: {  	s28 =	simm.s32 $0x40;
	s29 =	simm.s32 $0x0;
	[sflag:s13] =	ssyncadd.s32 $0xFFFFFB10  }
.LBB2_2:
0x18: {  	p0 =	sne.s32 s28, $0x9DC0;
	[tilespmem:s29+$0x5820] =	vst v0;
	s29 =	smov.u32 s28;
	s28 =	sadd.s32 $0x40, s28  }
.Ltmp0:
0x19: {  	(pc) =	sbr.rel @p0 .LBB2_2-.Ltmp0, $2  }
0x1a: {  	_ =	sdelay $0x2  }
0x1b: {  	s29 =	sshra.s32 s29, $0x2  }
0x1c: {  	[tilespmem:s29+$0x5820] =	vst v0  }
0x1d: {  	[spmem:s7] =	stream.linear.scatter [tilespmem:s14], [sflag:$0x5], $0x2780, $0x38;
	[tilespmem:$0xCEA0] =	vst v63  }
0x1e: {  	_ =	swait.ge [sflag:s13], $0x2780  }
0x1f: {  	[sflag:s13] =	ssyncset.done $0x0  }
0x20: {  	[sflag:s13] =	ssyncadd.s32 $0xFFFFD880  }
0x21: {  	[tilespmem:s4], [sflag:$0x5] =	stream.linear.gather [hbm4b:s8+s4], $0x2710, $0x38;
	[tilespmem:$0xCEA0] =	vst v63  }
0x22: {  	_ =	swait.ge [sflag:s13], $0x2710  }
0x23: {  	[sflag:s13] =	ssyncset.done $0x0  }
0x24: {  	[sflag:s13] =	ssyncadd.s32 $0xFFFFD8F0  }
0x25: {  	[tilespmem:s15], [sflag:$0x5] =	stream.linear.gather [hbm4b:s9+s4], $0x2710, $0x38;
	[tilespmem:$0xCEA0] =	vst v63  }
0x26: {  	_ =	swait.ge [sflag:s13], $0x2710  }
0x27: {  	[sflag:s13] =	ssyncset.done $0x0  }
0x28: {  	[sflag:s13] =	ssyncadd.s32 $0xFFFFD8F0  }
0x29: {  	[bflag:$0x0] =	sbarrier.arrive $0xFFFF  }
0x2a: {  	[tilespmem:s17], [sflag:$0x1] =	stream.indirect.gather [spmem:s2], $0x10, s4, s16, $0xb8;
	[tilespmem:$0xCEA0] =	vst v63  }
0x2b: {  	_ =	swait.ge [sflag:s18], $0x500  }
0x2c: {  	[sflag:s18] =	ssyncset.done $0x0  }
0x2d: {  	[sflag:s18] =	ssyncadd.s32 $0xFFFFFB00  }
0x2e: {  	[spmem:s3] =	stream.indirect.scatter.add.f32 [tilespmem:s17], [sflag:$0x3], $0x10, s15, s16, $0xb8;
	[tilespmem:$0xCEA0] =	vst v63  }
0x2f: {  	_ = 	snop  }
0x30: {  	[tilespmem:s19], [sflag:$0x2] =	stream.indirect.gather [spmem:s2], $0x10, s16, s16, $0xb8;
	[tilespmem:$0xCEA0] =	vst v63  }
0x31: {  	_ =	swait.ge [sflag:s20], $0x500  }
0x32: {  	[sflag:s20] =	ssyncset.done $0x0  }
0x33: {  	s28 =	simm.s32 $0xA0;
	[sflag:s20] =	ssyncadd.s32 $0xFFFFFB00  }
0x34: {  	[tilespmem:s17], [sflag:$0x1] =	stream.indirect.gather [spmem:s2], $0x10, s28, s16, $0xb8;
	[tilespmem:$0xCEA0] =	vst v63  }
0x35: {  	_ =	swait.ge [sflag:s21], $0x500  }
0x36: {  	[sflag:s21] =	ssyncset.done $0x0  }
0x37: {  	s28 =	simm.s32 $0x2760;
	[sflag:s21] =	ssyncadd.s32 $0xFFFFFB00  }
0x38: {  	[spmem:s3] =	stream.indirect.scatter.add.f32 [tilespmem:s19], [sflag:$0x4], $0x10, s28, s16, $0xb8;
	[tilespmem:$0xCEA0] =	vst v63  }
0x39: {  	_ =	swait.ge [sflag:s22], $0x500  }
0x3a: {  	[sflag:s22] =	ssyncset.done $0x0  }
0x3b: {  	s28 =	simm.s32 $0xF0;
	[sflag:s22] =	ssyncadd.s32 $0xFFFFFB00  }
0x3c: {  	[tilespmem:s19], [sflag:$0x2] =	stream.indirect.gather [spmem:s2], $0x10, s28, s16, $0xb8;
	[tilespmem:$0xCEA0] =	vst v63  }
0x3d: {  	_ =	swait.ge [sflag:s18], $0x500  }
0x3e: {  	[sflag:s18] =	ssyncset.done $0x0  }
0x3f: {  	s29 =	simm.s32 $0x27B0;
	s28 =	simm.s32 $0xFFFF6A00;
	[sflag:s18] =	ssyncadd.s32 $0xFFFFFB00  }
.LBB2_4:
0x40: {  	[spmem:s3] =	stream.indirect.scatter.add.f32 [tilespmem:s17], [sflag:$0x3], $0x10, s29, s16, $0xb8;
	[tilespmem:$0xCEA0] =	vst v63  }
0x41: {  	s29 =	smov.u32 s28  }
0x42: {  	p0 =	sne.s32 s28, $0xFFFFFD80;
	s28 =	sadd.s32 $0x280, s28;
	_ =	swait.ge [sflag:s20], $0x500  }
0x43: {  	s29 =	sshra.s32 s29, $0x2;
	[sflag:s20] =	ssyncset.done $0x0  }
0x44: {  	s30 =	sadd.s32 $0x26C0, s29;
	[sflag:s20] =	ssyncadd.s32 $0xFFFFFB00  }
0x45: {  	[tilespmem:s17], [sflag:$0x1] =	stream.indirect.gather [spmem:s2], $0x10, s30, s16, $0xb8;
	[tilespmem:$0xCEA0] =	vst v63  }
0x46: {  	_ =	swait.ge [sflag:s21], $0x500  }
0x47: {  	[sflag:s21] =	ssyncset.done $0x0  }
0x48: {  	s30 =	sadd.s32 $0x4D80, s29;
	[sflag:s21] =	ssyncadd.s32 $0xFFFFFB00  }
0x49: {  	[spmem:s3] =	stream.indirect.scatter.add.f32 [tilespmem:s19], [sflag:$0x4], $0x10, s30, s16, $0xb8;
	[tilespmem:$0xCEA0] =	vst v63  }
0x4a: {  	_ =	swait.ge [sflag:s22], $0x500  }
0x4b: {  	[sflag:s22] =	ssyncset.done $0x0  }
.Ltmp1:
0x4c: {  	s30 =	sadd.s32 $0x2710, s29;
	[sflag:s22] =	ssyncadd.s32 $0xFFFFFB00;
	(pc) =	sbr.rel @p0 .LBB2_4-.Ltmp1, $4  }
0x4d: {  	[tilespmem:s19], [sflag:$0x2] =	stream.indirect.gather [spmem:s2], $0x10, s30, s16, $0xb8;
	[tilespmem:$0xCEA0] =	vst v63  }
0x4e: {  	_ =	swait.ge [sflag:s18], $0x500  }
0x4f: {  	[sflag:s18] =	ssyncset.done $0x0  }
0x50: {  	s29 =	sadd.s32 $0x4DD0, s29;
	[sflag:s18] =	ssyncadd.s32 $0xFFFFFB00  }
0x51: {  	[spmem:s3] =	stream.indirect.scatter.add.f32 [tilespmem:s17], [sflag:$0x3], $0x10, s29, s16, $0xb8;
	[tilespmem:$0xCEA0] =	vst v63  }
0x52: {  	_ =	swait.ge [sflag:s20], $0x500  }
0x53: {  	[sflag:s20] =	ssyncset.done $0x0  }
0x54: {  	[sflag:s20] =	ssyncadd.s32 $0xFFFFFB00  }
0x55: {  	[tilespmem:s17], [sflag:$0x1] =	stream.indirect.gather [spmem:s2], $0x10, s23, s16, $0xb8;
	[tilespmem:$0xCEA0] =	vst v63  }
0x56: {  	_ =	swait.ge [sflag:s21], $0x500  }
0x57: {  	[sflag:s21] =	ssyncset.done $0x0  }
0x58: {  	[sflag:s21] =	ssyncadd.s32 $0xFFFFFB00  }
0x59: {  	[spmem:s3] =	stream.indirect.scatter.add.f32 [tilespmem:s19], [sflag:$0x4], $0x10, s24, s16, $0xb8;
	[tilespmem:$0xCEA0] =	vst v63  }
0x5a: {  	_ =	swait.ge [sflag:s18], $0x500  }
0x5b: {  	[sflag:s18] =	ssyncset.done $0x0  }
0x5c: {  	[sflag:s18] =	ssyncadd.s32 $0xFFFFFB00  }
0x5d: {  	[spmem:s3] =	stream.indirect.scatter.add.f32 [tilespmem:s17], [sflag:$0x3], $0x10, s25, s16, $0xb8;
	[tilespmem:$0xCEA0] =	vst v63  }
0x5e: {  	_ =	swait.ge [sflag:s22], $0x500  }
0x5f: {  	[sflag:s22] =	ssyncset.done $0x0  }
0x60: {  	[sflag:s22] =	ssyncadd.s32 $0xFFFFFB00  }
0x61: {  	_ =	swait.ge [sflag:s20], $0x500  }
0x62: {  	s26 =	sadd.s32 $0x1, s26;
	[sflag:s20] =	ssyncset.done $0x0  }
0x63: {  	p0 =	sne.s32 s26, s11;
	[sflag:s20] =	ssyncadd.s32 $0xFFFFFB00  }
.Ltmp2:
0x64: {  	s28 =	sshrl.u32 s7, $0x3;
	[bflag:$0x0] =	sbarrier.arrive $0xFFFF;
	(pc) =	sbr.rel @p0 .LBB2_1-.Ltmp2, $4  }
0x65: {  	[hbm:s10], [sflag:s6] =	dma.local [spmem:s28], $0x4F0  }
0x66: {  	_ =	swait.ge [sflag:s13], $0x4F0  }
0x67: {  	[sflag:s13] =	ssyncset.done $0x0  }
0x68: {  	[sflag:s13] =	ssyncadd.s32 $0xFFFFFB10  }
0x69: {  	_ =	sfence.sel $0x180000  }
0x6a: {  	[bflag:$0x0] =	sbarrier.arrive $0xFFFF  }
0x6b: {  	p0 =	sne.s32 s0, $0x0;
	_ =	strace $0x9000004D  }
0x6c: {  	s0 =	sadd.s32 @!p0 $0x100000, s1;
	[bflag:$0x2] =	sbarrier.arrive $0xFFFF  }
0x6d: {  	[sflag:s0] =	ssyncadd.tile.s32 @!p0 $0x1;
	_ =	shalt  }
.Lfunc_end2:
_tile_overlayer_lowered:
.L_overlay_start_2:
0x6e: {  	(tag) =	ssettag $0x2  }
0x6f: {  	s0 =	rddreg [dreg:$0x0];
	s2 =	stileid.u32  }
0x70: {  	s1 =	rddreg [dreg:$0x1];
	p0 =	sne.s32 s2, $0x0  }
0x71: {  	s3 =	rddreg [dreg:$0x2];
	[bflag:$0x3] =	sbarrier.arrive $0xFFFF;
	s2 =	simm.s32 @!p0 $0x1C05  }
0x72: {  	[timem:s3], [sflag:s2] =	dma.local @!p0 [hbm:s0], s1  }
0x73: {  	s0 =	simm.s32 @!p0 $0x5  }
0x74: {  	_ =	swait.ge @!p0 [sflag:s0], s1  }
0x75: {  	s1 =	ssub.s32 @!p0 $0x0, s1;
	[sflag:s0] =	ssyncset.done @!p0 $0x0  }
0x76: {  	[sflag:s0] =	ssyncadd.s32 @!p0 s1  }
0x77: {  	[bflag:$0x3] =	sbarrier.arrive $0xFFFF  }
0x78: {  	_ =	shalt  }

// kernel: kernel.8.cloned.1.call-start
scs
__scs_entry_jumppad:
0x0: {  	(pc) =	sbr.rel $0x88, $3  }
0x1: {  	(tag) =	ssettag $0x0;
	lr =	simm.s32 $0x1  }
0x2: {  	[smem:$0x3F9B] =	sst lr;
	_ =	strace $0xD0000000  }
0x3: {  	_ = 	snop  }
0x4: {  	_ = 	snop  }
0x5: {  	_ = 	snop  }
0x6: {  	_ = 	snop  }
0x7: {  	_ = 	snop  }
__scs_overlays_trampoline_lowered:
0x8: {  	[smem:$0x3FAA] =	sst s0  }
0x9: {  	[smem:$0x3FAB] =	sst s1  }
0xa: {  	[smem:$0x3FAC] =	sst s2  }
0xb: {  	[smem:$0x3FAD] =	sst s3  }
0xc: {  	[smem:$0x3FAE] =	sst s4  }
0xd: {  	[smem:$0x3FAF] =	sst s5  }
0xe: {  	[smem:$0x3FB0] =	sst s6  }
0xf: {  	[smem:$0x3FB1] =	sst s7  }
0x10: {  	[smem:$0x3FB2] =	sst s8  }
0x11: {  	[smem:$0x3FB3] =	sst s9;
	s0 =	simm.s32 @!p0 $0x0  }
0x12: {  	s1 =	sld [smem:$0x3F99];
	s0 =	simm.s32 @p0 $0x1  }
0x13: {  	[smem:$0x3FB4] =	sst s0;
	s0 =	simm.s32 @!p1 $0x0  }
0x14: {  	s2 =	sld [smem:$0x3F98];
	s0 =	simm.s32 @p1 $0x1  }
0x15: {  	[smem:$0x3FB5] =	sst s0;
	s0 =	simm.s32 @!p2 $0x0  }
0x16: {  	s3 =	sld [smem:$0x3FDB];
	s0 =	simm.s32 @p2 $0x1  }
0x17: {  	s4 =	simm.s32 $0x1BF5;
	[smem:$0x3FB7] =	sst s0  }
0x18: {  	s0 =	sld [smem:$0x3F9A];
	_ =	swait.ge [sflag:s4], $0x0  }
0x19: {  	s7 =	sld [smem:$0x3F9B]  }
0x1a: {  	s8 =	sadd.s32 $0xFFFFE003, lr  }
0x1b: {  	s9 =	sadd.s32 $0xFFFFFEF7, lr;
	s5 =	simm.s32 $0xFFFFFFFF;
	p2 =	slt.u32 s8, $0xFFFFF086  }
0x1c: {  	p1 =	slt.u32 s9, $0xF7A;
	s5 =	simm.s32 @!p2 $0x0  }
0x1d: {  	s5 =	simm.s32 @p1 $0x1;
	p0 =	seq.s32 s7, s2  }
0x1e: {  	s7 =	smul.u32 @!p0 $0xF7A, s2;
	p2 =	seq.s32 @!p0 s5, $0x0  }
0x1f: {  	s9 =	smul.u32 $0xF7A, s1;
	s8 =	simm.s32 @!p0 $0x1BF5;
	p2 =	por !p2, p0  }
0x20: {  	[sflag:s8] =	ssyncset.s32 @!p0 $0xFFFFF086;
	s6 =	sadd.s32 @!p0 s3, s7;
	s7 =	simm.s32 @!p0 $0x108  }
0x21: {  	s3 =	sadd.s32 s3, s9;
	s6 =	sadd.s32 @!p0 $0x88, s6;
	s7 =	simm.s32 @p2 $0x1082  }
0x22: {  	[simem:s7], [sflag:s8] =	dma.local @!p0 [hbm:s6], $0xF7A  }
0x23: {  	s9 =	sor.u32 $0xD0000000, s2;
	s6 =	simm.s32 $0x108;
	_ =	swait.ge @!p0 [sflag:s8], $0x0  }
0x24: {  	s3 =	sadd.s32 $0x88, s3;
	s6 =	simm.s32 @!p1 $0x1082;
	[sflag:s4] =	ssyncset.s32 $0xFFFFF086  }
0x25: {  	[simem:s6], [sflag:s4] =	dma.local [hbm:s3], $0xF7A  }
0x26: {  	[smem:$0x3F9B] =	sst s1;
	(tag) =	ssettag s2;
	_ =	strace s9  }
0x27: {  	s1 =	sld [smem:$0x3FAB]  }
0x28: {  	s2 =	sld [smem:$0x3FAC]  }
0x29: {  	s4 =	sld [smem:$0x3FAE]  }
0x2a: {  	p0 =	seq.s32 s5, $0x0;
	s5 =	sld [smem:$0x3FAF]  }
0x2b: {  	s6 =	sld [smem:$0x3FB0]  }
0x2c: {  	s7 =	sld [smem:$0x3FB1]  }
0x2d: {  	s3 =	simm.s32 $0x108;
	s8 =	sld [smem:$0x3FB2]  }
0x2e: {  	s3 =	simm.s32 @!p0 $0x1082;
	s9 =	sld [smem:$0x3FB3]  }
0x2f: {  	lr =	sadd.s32 s0, s3;
	s0 =	sld [smem:$0x3FAA]  }
0x30: {  	s3 =	sld [smem:$0x3FAD]  }
0x31: {  	[smem:$0x3FB6] =	sst s10  }
0x32: {  	s10 =	sld [smem:$0x3FB4];
	_ =	sdelay $0x3  }
0x33: {  	p0 =	seq.s32 s10, $0x1;
	s10 =	sld [smem:$0x3FB6];
	_ =	sdelay $0x3  }
0x34: {  	[smem:$0x3FB6] =	sst s10  }
0x35: {  	s10 =	sld [smem:$0x3FB5];
	_ =	sdelay $0x3  }
0x36: {  	p1 =	seq.s32 s10, $0x1;
	s10 =	sld [smem:$0x3FB6];
	_ =	sdelay $0x3  }
0x37: {  	[smem:$0x3FB6] =	sst s10  }
0x38: {  	s10 =	sld [smem:$0x3FB7]  }
0x39: {  	_ = 	snop;
	(pc) =	sbr.ind lr, $3  }
0x3a: {  	_ = 	snop  }
0x3b: {  	_ = 	snop  }
0x3c: {  	p2 =	seq.s32 s10, $0x1;
	s10 =	sld [smem:$0x3FB6]  }
0x3d: {  	_ =	shalt  }
0x3e: {  	_ =	shalt  }
0x3f: {  	_ =	shalt  }
0x40: {  	_ =	shalt  }
0x41: {  	_ =	shalt  }
0x42: {  	_ =	shalt  }
0x43: {  	_ =	shalt  }
0x44: {  	_ =	shalt  }
0x45: {  	_ =	shalt  }
0x46: {  	_ =	shalt  }
0x47: {  	_ =	shalt  }
0x48: {  	_ =	shalt  }
0x49: {  	_ =	shalt  }
0x4a: {  	_ =	shalt  }
0x4b: {  	_ =	shalt  }
0x4c: {  	_ =	shalt  }
0x4d: {  	_ =	shalt  }
0x4e: {  	_ =	shalt  }
0x4f: {  	_ =	shalt  }
0x50: {  	_ =	shalt  }
0x51: {  	_ =	shalt  }
0x52: {  	_ =	shalt  }
0x53: {  	_ =	shalt  }
0x54: {  	_ =	shalt  }
0x55: {  	_ =	shalt  }
0x56: {  	_ =	shalt  }
0x57: {  	_ =	shalt  }
0x58: {  	_ =	shalt  }
0x59: {  	_ =	shalt  }
0x5a: {  	_ =	shalt  }
0x5b: {  	_ =	shalt  }
0x5c: {  	_ =	shalt  }
0x5d: {  	_ =	shalt  }
0x5e: {  	_ =	shalt  }
0x5f: {  	_ =	shalt  }
0x60: {  	_ =	shalt  }
0x61: {  	_ =	shalt  }
0x62: {  	_ =	shalt  }
0x63: {  	_ =	shalt  }
0x64: {  	_ =	shalt  }
0x65: {  	_ =	shalt  }
0x66: {  	_ =	shalt  }
0x67: {  	_ =	shalt  }
0x68: {  	_ =	shalt  }
0x69: {  	_ =	shalt  }
0x6a: {  	_ =	shalt  }
0x6b: {  	_ =	shalt  }
0x6c: {  	_ =	shalt  }
0x6d: {  	_ =	shalt  }
0x6e: {  	_ =	shalt  }
0x6f: {  	_ =	shalt  }
0x70: {  	_ =	shalt  }
0x71: {  	_ =	shalt  }
0x72: {  	_ =	shalt  }
0x73: {  	_ =	shalt  }
0x74: {  	_ =	shalt  }
0x75: {  	_ =	shalt  }
0x76: {  	_ =	shalt  }
0x77: {  	_ =	shalt  }
0x78: {  	_ =	shalt  }
0x79: {  	_ =	shalt  }
0x7a: {  	_ =	shalt  }
0x7b: {  	_ =	shalt  }
0x7c: {  	_ =	shalt  }
0x7d: {  	_ =	shalt  }
0x7e: {  	_ =	shalt  }
0x7f: {  	_ =	shalt  }
0x80: {  	_ =	shalt  }
0x81: {  	_ =	shalt  }
0x82: {  	_ =	shalt  }
0x83: {  	_ =	shalt  }
0x84: {  	_ =	shalt  }
0x85: {  	_ =	shalt  }
0x86: {  	_ =	shalt  }
0x87: {  	_ =	shalt  }
.Lfunc_end0:
.L_simem_size_0:
called_computation_lowered:
.L_overlay_start_0:
0x88: {  	s2 =	sld [smem:$0x3FD9]  }
0x89: {  	s3 =	sld [smem:$0x3FFE];
	_ =	sdelay $0x1  }
0x8a: {  	s1 =	srdreg.scid  }
0x8b: {  	s0 =	sand.u32 $0x1, s1  }
0x8c: {  	s16 =	sshll.u32 s0, $0xA;
	s2 =	sadd.s32 s3, s2  }
0x8d: {  	s2 =	sadd.s32 s2, s16  }
0x8e: {  	[smem:$0x3FC2] =	sst s2  }
0x8f: {  	_ = 	snop  }
0x90: {  	(tm) =	ssettm $0x1  }
0x91: {  	s17 =	sld [smem:$0x3FFB];
	_ =	sdelay $0x3  }
0x92: {  	_ =	strace s17  }
0x93: {  	s2 =	sld [smem:$0x3FFC];
	_ =	sdelay $0x3  }
0x94: {  	_ =	strace s2  }
0x95: {  	s2 =	sld [smem:$0x3FFD];
	_ =	sdelay $0x3  }
0x96: {  	_ =	strace s2  }
0x97: {  	_ =	strace $0x8FFFFFFF  }
0x98: {  	s18 =	sld [smem:$0x3FDB];
	_ =	sdelay $0x1  }
0x99: {  	s19 =	simm.s32 $_scs_section_size  }
0x9a: {  	s4 =	simm.s32 $_size__tile_overlayer_lowered;
	s5 =	simm.s32 $_tile_overlayer_lowered  }
0x9b: {  	s22 =	simm.s32 $0x1BFF;
	s21 =	sshll.u32 s5, $0x1;
	s2 =	sadd.s32 s19, s18  }
0x9c: {  	s6 =	simm.s32 $0x0;
	s20 =	sshll.u32 s4, $0x1;
	s4 =	sadd.s32 s21, s2  }
0x9d: {  	[timem:s6], [sflag:s22] =	dma.local [hbm:s4], s20  }
0x9e: {  	_ =	swait.ge [sflag:s22], s20  }
0x9f: {  	s3 =	ssub.s32 $0x0, s20;
	[sflag:s22] =	ssyncset.done $0x0  }
0xa0: {  	[sflag:s22] =	ssyncadd.s32 s3;
	_ =	sdelay $0x1  }
0xa1: {  	s23 =	simm.s32 $0x1B8B  }
0xa2: {  	_ =	swait.ge [sflag:s23], $0x1  }
0xa3: {  	[sflag:s23] =	ssyncset.done $0x0  }
0xa4: {  	s25 =	simm.s32 $0x1B8E;
	s24 =	sld [smem:$0x3FFE];
	[sflag:s23] =	ssyncadd.s32 $0xFFFFFFFF  }
0xa5: {  	s26 =	simm.s32 $execute0_lowered;
	[smem:$0x3FD2] =	sst s25  }
0xa6: {  	s4 =	sshll.u32 s26, $0x1;
	_ =	strace $0x80000046;
	[dreg:$0x1] =	wrdreg $0xFFFFFFFF  }
0xa7: {  	s28 =	simm.s32 $_size_execute0_lowered;
	s2 =	sadd.s32 s2, s4;
	[dreg:$0x0] =	wrdreg $0x0  }
0xa8: {  	s4 =	sshll.u32 s28, $0x1;
	[dreg:$0x2] =	wrdreg s2  }
0xa9: {  	[dreg:$0x3] =	wrdreg s4  }
0xaa: {  	[dreg:$0x4] =	wrdreg $0xC0  }
0xab: {  	_ =	task [dreg:s6], $0x5FFFF  }
0xac: {  	[dreg:$0x1] =	wrdreg $0xFFFFFFFF  }
0xad: {  	[dreg:$0x0] =	wrdreg $0x60  }
0xae: {  	[dreg:$0x2] =	wrdreg s24  }
0xaf: {  	[dreg:$0x3] =	wrdreg $0x53900  }
0xb0: {  	[dreg:$0x4] =	wrdreg $0x9  }
0xb1: {  	_ =	task.clear_ibuf [dreg:s6], $0x5FFFF;
	_ =	strace $0x90000046  }
0xb2: {  	s29 =	simm.s32 $0x9;
	_ =	strace $0x80000048  }
0xb3: {  	_ =	swait.ge [sflag:s29], $0x1  }
0xb4: {  	[sflag:s29] =	ssyncadd.s32 $0xFFFFFFFF  }
0xb5: {  	_ =	strace $0x90000048  }
0xb6: {  	_ =	sfence  }
0xb7: {  	s30 =	sld [smem:$0x0];
	_ =	sdelay $0x2  }
0xb8: {  	s31 =	sshll.u32 s1, $0xD;
	s1 =	sshrl.u32 s1, $0x2  }
0xb9: {  	s3 =	sand.u32 $0x4000, s31;
	s1 =	sadd.s32 s1, s30  }
0xba: {  	s0 =	sor.u32 s3, s0;
	s1 =	sshll.u32 s1, $0x11  }
0xbb: {  	s0 =	sor.u32 s1, s0  }
0xbc: {  	s0 =	sadd.s32 $0x8F2B, s0  }
0xbd: {  	[sflag:s0] =	ssyncadd.remote.s32 $0x1  }
0xbe: {  	_ =	sfence.sel $0xFFFF  }
0xbf: {  	[dreg:$0x0] =	wrdreg $0xFFFFFFFF;
	(pc) =	sbr.abs _section_cstart, $3  }
0xc0: {  	[dreg:$0x1] =	wrdreg $0xFFFFFFFF  }
0xc1: {  	_ =	task.clear_ibuf [dreg:s6], $0x2FFFF;
	_ =	strace $0x9FFFFFFF  }
0xc2: {  	(tm) =	ssettm $0x7FFFFFFF  }
0xc3: {  	_ =	shalt  }
tec
execute0_lowered:
.L_overlay_start_1:
0x0: {  	(tag) =	ssettag $0x1  }
0x1: {  	s4 =	rddreg [dreg:$0x0];
	s0 =	srdreg.scid  }
0x2: {  	s2 =	rddreg [dreg:$0x1];
	s1 =	stileid.u32  }
0x3: {  	s3 =	simm.s32 $0x0;
	s10 =	simm.s32 $0x50;
	s11 =	simm.s32 $0x2710  }
0x4: {  	s12 =	simm.s32 $0x1;
	s5 =	sand.u32 $0x1, s0;
	s0 =	rddreg [dreg:$0x2]  }
0x5: {  	s6 =	smul.u32 $0x2780, s1;
	[smem:$0x7FF] =	sst s3;
	s7 =	sshll.u32 s5, $0x4  }
0x6: {  	s13 =	sshll.u32 s1, $0x6;
	s8 =	smul.u32 $0x27800, s5;
	s7 =	sor.u32 s1, s7  }
0x7: {  	_ =	strace $0x80000047;
	s5 =	ssub.s32 $0x2, s5;
	s7 =	smul.u32 $0x2710, s7  }
0x8: {  	s13 =	sor.u32 $0x1C02, s13;
	s9 =	sshrl.u32 s5, $0x1;
	s8 =	sadd.s32 s6, s8  }
0x9: {  	s9 =	ssub.s32 s5, s9;
	s8 =	sshrl.u32 s8, $0x3;
	s7 =	sshrl.u32 s7, $0x3  }
0xa: {  	s8 =	sadd.s32 s8, s4;
	s31 =	sadd.s32 s4, s7;
	s4 =	sadd.s32 s6, s2  }
0xb: {  	s6 =	sadd.s32 $0x16600, s8;
	s7 =	smax.u32 s9, $0x1;
	s8 =	simm.s32 $0x2C10  }
0xc: {  	v0 =	vimm.f32 $0.0e+00;
	v1 =	vimm.f32 $1.000000000e+00;
	s9 =	simm.s32 $0x2;
	s5 =	sadd.s32 $0xC840, s31;
	s14 =	sshrl.u32 s4, $0x3  }
.LBB2_1:
0xd: {  	s15 =	simm.s32 $0x0  }
.LBB2_2:
0xe: {  	p0 =	sne.s32 s15, $0x9DC0  }
.Ltmp0:
0xf: {  	_ = 	snop;
	(pc) =	sbr.rel @p0 .LBB2_2-.Ltmp0, $3  }
0x10: {  	_ =	sdelay $0x1  }
0x11: {  	s16 =	sshra.s32 s15, $0x2  }
0x12: {  	s15 =	sadd.s32 $0x40, s15;
	[tilespmem:s16+$0x2C10] =	vst v0  }
0x13: {  	s15 =	simm.s32 $0x40;
	s16 =	simm.s32 $0x0  }
.LBB2_4:
0x14: {  	p0 =	sne.s32 s15, $0x13C0;
	[tilespmem:s16+$0x2710] =	vst v1;
	s16 =	smov.u32 s15;
	s15 =	sadd.s32 $0x40, s15  }
.Ltmp1:
0x15: {  	(pc) =	sbr.rel @p0 .LBB2_4-.Ltmp1, $2  }
0x16: {  	_ =	sdelay $0x2  }
0x17: {  	s16 =	sshra.s32 s16, $0x2  }
0x18: {  	[tilespmem:s16+$0x2710] =	vst v1  }
0x19: {  	[spmem:s4] =	stream.linear.scatter [tilespmem:s8], [sflag:$0x2], $0x2780, $0x38;
	[tilespmem:$0x7B10] =	vst v63  }
0x1a: {  	_ =	swait.ge [sflag:s9], $0x2780  }
0x1b: {  	[sflag:s9] =	ssyncset.done $0x0  }
0x1c: {  	s15 =	simm.s32 $0x0;
	[sflag:s9] =	ssyncadd.s32 $0xFFFFD880  }
0x1d: {  	[tilespmem:s15], [sflag:$0x2] =	stream.linear.gather [hbm4b:s5+s15], $0x2710, $0x38;
	[tilespmem:$0x7B10] =	vst v63  }
0x1e: {  	_ =	swait.ge [sflag:s9], $0x2710  }
0x1f: {  	[sflag:s9] =	ssyncset.done $0x0  }
0x20: {  	[sflag:s9] =	ssyncadd.s32 $0xFFFFD8F0  }
0x21: {  	[bflag:$0x0] =	sbarrier.arrive $0xFFFF  }
.LBB2_6:
0x22: {  	p0 =	sne.s32 s15, $0x9B00  }
.Ltmp2:
0x23: {  	_ = 	snop;
	(pc) =	sbr.rel @p0 .LBB2_6-.Ltmp2, $3  }
0x24: {  	_ =	sdelay $0x1  }
0x25: {  	s16 =	sshra.s32 s15, $0x2;
	s15 =	sadd.s32 $0x140, s15  }
0x26: {  	[spmem:s2] =	stream.indirect.scatter.add.f32 [tilespmem:s11], [sflag:$0x1], $0x10, s16, s10, $0xb8;
	[tilespmem:$0x7B10] =	vst v63  }
0x27: {  	_ =	swait.ge [sflag:s12], $0x500  }
0x28: {  	s15 =	simm.s32 $0x7C;
	[sflag:s12] =	ssyncset.done $0x0  }
.LBB2_8:
0x29: {  	p0 =	sne.s32 s15, $0x1;
	s15 =	sadd.s32 $0xFFFFFFFF, s15;
	[sflag:s12] =	ssyncadd.s32 $0xFFFFFB00  }
.Ltmp3:
0x2a: {  	(pc) =	sbr.rel @p0 .LBB2_8-.Ltmp3, $3  }
0x2b: {  	_ =	sdelay $0x1  }
0x2c: {  	_ =	swait.ge [sflag:s12], $0x500  }
0x2d: {  	[sflag:s12] =	ssyncset.done $0x0  }
0x2e: {  	s3 =	sadd.s32 $0x1, s3  }
0x2f: {  	[sflag:s12] =	ssyncadd.s32 $0xFFFFFB00;
	p0 =	sne.s32 s3, s7  }
.Ltmp4:
0x30: {  	[bflag:$0x0] =	sbarrier.arrive $0xFFFF;
	(pc) =	sbr.rel @p0 .LBB2_1-.Ltmp4, $4  }
0x31: {  	[hbm:s6], [sflag:s13] =	dma.local [spmem:s14], $0x4F0  }
0x32: {  	_ =	swait.ge [sflag:s9], $0x4F0  }
0x33: {  	[sflag:s9] =	ssyncset.done $0x0  }
0x34: {  	[sflag:s9] =	ssyncadd.s32 $0xFFFFFB10  }
0x35: {  	_ =	sfence.sel $0x180000  }
0x36: {  	[bflag:$0x0] =	sbarrier.arrive $0xFFFF  }
0x37: {  	p0 =	sne.s32 s1, $0x0;
	_ =	strace $0x90000047  }
0x38: {  	s0 =	sadd.s32 @!p0 $0x100000, s0;
	[bflag:$0x2] =	sbarrier.arrive $0xFFFF  }
0x39: {  	[sflag:s0] =	ssyncadd.tile.s32 @!p0 $0x1;
	_ =	shalt  }
.Lfunc_end2:
_tile_overlayer_lowered:
.L_overlay_start_2:
0x3a: {  	(tag) =	ssettag $0x2  }
0x3b: {  	s0 =	rddreg [dreg:$0x0];
	s2 =	stileid.u32  }
0x3c: {  	s1 =	rddreg [dreg:$0x1];
	p0 =	sne.s32 s2, $0x0  }
0x3d: {  	s3 =	rddreg [dreg:$0x2];
	[bflag:$0x3] =	sbarrier.arrive $0xFFFF;
	s2 =	simm.s32 @!p0 $0x1C02  }
0x3e: {  	[timem:s3], [sflag:s2] =	dma.local @!p0 [hbm:s0], s1  }
0x3f: {  	s0 =	simm.s32 @!p0 $0x2  }
0x40: {  	_ =	swait.ge @!p0 [sflag:s0], s1  }
0x41: {  	s1 =	ssub.s32 @!p0 $0x0, s1;
	[sflag:s0] =	ssyncset.done @!p0 $0x0  }
0x42: {  	[sflag:s0] =	ssyncadd.s32 @!p0 s1  }
0x43: {  	[bflag:$0x3] =	sbarrier.arrive $0xFFFF  }
0x44: {  	_ =	shalt  }

</sc_bundles>
